<compile_context>
chip_gen: v7x
topology: tpu7x:2x2x1
jax: 0.10.2.dev20260603
libtpu: 0.0.44.dev20260713+nightly
codegen_flags: <defaults>
</compile_context>

<pallas_src>
import functools

import jax
import jax.numpy as jnp
from jax import lax
from jax.experimental import pallas as pl
from jax.experimental.pallas import tpu as pltpu
from jax.experimental.pallas import tpu_sc as plsc

_EMBED_DIM = 32
_DEFINED = (90.0, 109.5, 120.0, 180.0, 0.0)
_TOL = 5.0
_L = 16

_NC, _NS = 2, 16
_NW = _NC * _NS

_B = 16384
_SEQ = 200
_DT = _EMBED_DIM // 8
_BT = _B // 128
_PAIRS = _SEQ * _DT
_PPW = _PAIRS // _NW
_BT4 = 32
_ROWS_F = _BT4 * 8 * 128


def _bucket_index(a):
    idx = jnp.zeros((_L,), jnp.int32)
    tol = jnp.full((_L,), _TOL, jnp.float32)
    for j in range(len(_DEFINED) - 1, -1, -1):
        m = jnp.abs(a - jnp.full((_L,), _DEFINED[j], jnp.float32)) <= tol
        idx = jnp.where(m, jnp.full((_L,), j, jnp.int32), idx)
    return idx


def _make_sc_kernel():
    mesh = plsc.VectorSubcoreMesh(core_axis_name="c", subcore_axis_name="s")

    @functools.partial(
        pl.kernel,
        out_type=jax.ShapeDtypeStruct((_SEQ, _DT, _BT, 8, 128), jnp.float32),
        mesh=mesh,
        compiler_params=pltpu.CompilerParams(
            use_tc_tiling_on_sc=False, needs_layout_passes=False),
        scratch_types=[
            pltpu.VMEM((_B,), jnp.float32),
            pltpu.VMEM((_B,), jnp.int32),
            pltpu.VMEM((_BT4, 8, 128), jnp.float32),
            pltpu.VMEM((_BT4, 8, 128), jnp.float32),
            pltpu.VMEM((8 * _EMBED_DIM,), jnp.float32),
            pltpu.SemaphoreType.DMA,
            pltpu.SemaphoreType.DMA,
        ],
    )
    def sc_kernel(ang_t_hbm, emb_t_hbm, out_hbm,
                  ang_v, idx_v, rows0, rows1, tbl_v,
                  out_sem0, out_sem1):
        wid = lax.axis_index("s") * _NC + lax.axis_index("c")
        p0 = wid * _PPW
        rows = (rows0, rows1)
        out_sems = (out_sem0, out_sem1)

        pltpu.sync_copy(emb_t_hbm, tbl_v)

        def compute_idx(l):
            pltpu.sync_copy(ang_t_hbm.at[l], ang_v)

            def grp(g):
                a = ang_v[pl.ds(g * _L, _L)]
                idx_v[pl.ds(g * _L, _L)] = _bucket_index(a)

            plsc.parallel_loop(0, _B // _L, 1, unroll=4)(grp)

        def drain_out(bb):
            pltpu.make_async_copy(
                rows[bb], out_hbm.at[0, 0, pl.ds(0, _BT4)], out_sems[bb]).wait()

        def pair_body(i, prev_l):
            p = p0 + i
            l = lax.shift_right_logical(p, 2)
            dt = lax.bitwise_and(p, 3)
            d5_base = dt * jnp.int32(40)

            @pl.when(l != prev_l)
            def _():
                compute_idx(l)

            for c4 in range(4):
                q = i * 4 + c4
                bb = c4 % 2

                @pl.when(q >= 2)
                def _():
                    drain_out(bb)

                base_b = c4 * (_BT4 * 128)

                def unit(u):
                    boff = lax.shift_right_logical(u, 3)
                    brg = lax.bitwise_and(u, 7)
                    bstart = base_b + boff * 128 + brg * _L
                    idxv = idx_v[pl.ds(bstart, _L)]
                    addr0 = idxv + jnp.broadcast_to(d5_base, (_L,))
                    for dr in range(8):
                        vals = plsc.load_gather(
                            tbl_v, [addr0 + jnp.full((_L,), dr * 5, jnp.int32)])
                        rows[bb][boff, dr, pl.ds(brg * _L, _L)] = vals

                plsc.parallel_loop(0, _BT4 * 8, 1, unroll=8)(unit)

                pltpu.async_copy(
                    rows[bb],
                    out_hbm.at[l, dt, pl.ds(c4 * _BT4, _BT4)],
                    out_sems[bb])
            return l

        lax.fori_loop(0, _PPW, pair_body, jnp.int32(-1))
        drain_out(0)
        drain_out(1)

    return sc_kernel


def kernel(angles, embedding):
    ang_t = angles.T
    emb_t = embedding.T.reshape(-1)
    emb_t_pad = jnp.concatenate(
        [emb_t, jnp.zeros((8 * _EMBED_DIM - 5 * _EMBED_DIM,), jnp.float32)])
    w = _make_sc_kernel()(ang_t, emb_t_pad)
    return w.transpose(2, 4, 0, 1, 3).reshape(_B, _SEQ, _EMBED_DIM)

# --- scband reference (transcript-rebuilt; emitter-appended) ---
"""Pipeline reference for scband-angle-categorical-encoder-33191507264111 (READ-ONLY COPY).

The authoritative reference and input builder live on the scoring server;
editing this copy changes nothing except your own understanding.
"""

import jax, jax.numpy as jnp
import numpy as np

EMBEDDING_DIM = 32
DEFINED_ANGLES = jnp.array([90.0, 109.5, 120.0, 180.0, 0.0], dtype=jnp.float32)
TOLERANCE = 5.0


def setup_inputs(seed: int = 0) -> dict:
    key = jax.random.key(seed)
    k1, k2 = jax.random.split(key)
    angles = jax.random.uniform(k1, (16384, 200), dtype=jnp.float32)
    # nn.Embedding(5, embedding_dim) default init: N(0, 1)
    embedding = jax.random.normal(k2, (5, EMBEDDING_DIM), dtype=jnp.float32)
    return {"angles": angles, "embedding": embedding}


def reference(angles, embedding):
    # find_closest_angle_indices
    # angles: [B, L] -> [B, L, 1]; defined: [1, 1, 5]
    diffs = jnp.abs(angles[..., None] - DEFINED_ANGLES[None, None, :])
    within_tolerance = diffs <= TOLERANCE
    # torch.max over a bool dim returns the index of the FIRST maximal value;
    # jnp.argmax also returns the first occurrence, so semantics match
    # (all-False rows yield index 0, same as torch).
    indices = jnp.argmax(within_tolerance, axis=-1)
    # embedding lookup -> [B, L, embedding_dim]
    return jnp.take(embedding, indices, axis=0)

if __name__ == "__main__":
    import jax
    _d = setup_inputs()
    print(jax.jit(kernel)(*tuple(_d.values())))

</pallas_src>

<mosaic_0001>
#map = affine_map<(d0, d1) -> (0, 0)>
#map1 = affine_map<(d0, d1) -> (0)>
#map2 = affine_map<(d0, d1) -> (0, 0, 0, 0, 0)>
module attributes {stable_mosaic.version = 14 : i64} {
  func.func @sc_kernel(%arg0: i32, %arg1: i32, %arg2: memref<200x16384xf32, #tpu.memory_space<hbm>>, %arg3: memref<256xf32, #tpu.memory_space<hbm>>, %arg4: memref<200x4x128x8x128xf32, #tpu.memory_space<hbm>>, %arg5: memref<16384xf32, #tpu.memory_space<vmem>>, %arg6: memref<16384xi32, #tpu.memory_space<vmem>>, %arg7: memref<32x8x128xf32, #tpu.memory_space<vmem>>, %arg8: memref<32x8x128xf32, #tpu.memory_space<vmem>>, %arg9: memref<256xf32, #tpu.memory_space<vmem>>, %arg10: memref<!tpu.dma_semaphore, #tpu.memory_space<semaphore_mem>>, %arg11: memref<!tpu.dma_semaphore, #tpu.memory_space<semaphore_mem>>) attributes {dimension_semantics = [#tpu.dimension_semantics<core_parallel>, #tpu.dimension_semantics<subcore_parallel>], iteration_bounds = array<i64: 2, 16>, scalar_prefetch = 0 : i64, scratch_operands = 7 : i64, tpu.core_type = #tpu.core_type<sc_vector_subcore>, window_params = [{transform_indices = #map}, {transform_indices = #map1}, {transform_indices = #map2}]} {
    %mul3A = arith.constant 2 : i32
    %mul3A_0 = arith.muli %arg1, %mul3A : i32
    %add3A = arith.addi %mul3A_0, %arg0 : i32
    %mul3A_1 = arith.constant 25 : i32
    %mul3A_2 = arith.muli %add3A, %mul3A_1 : i32
    "tpu.region"() ({
      %run_scoped3A = tpu.sem_alloc : memref<!tpu.dma_semaphore, #tpu.memory_space<semaphore_mem>>
      tpu.enqueue_dma source(%arg3 : memref<256xf32, #tpu.memory_space<hbm>>) target(%arg9 : memref<256xf32, #tpu.memory_space<vmem>>) target_semaphore(%run_scoped3A : memref<!tpu.dma_semaphore, #tpu.memory_space<semaphore_mem>>)
      tpu.wait_dma2 semaphore(%run_scoped3A : memref<!tpu.dma_semaphore, #tpu.memory_space<semaphore_mem>>) src(%arg3 : memref<256xf32, #tpu.memory_space<hbm>>) dst(%arg9 : memref<256xf32, #tpu.memory_space<vmem>>)
      tpu.yield
    }) : () -> ()
    %scan3A = arith.constant -1 : i32
    %scan3A_3 = arith.constant 0 : i32
    %scan3A_4 = arith.constant 25 : i32
    %scan3A_5 = arith.addi %scan3A_3, %scan3A_4 : i32
    %scan3A_6 = arith.constant 1 : i32
    %scan3A_7 = scf.for %scan3A_32 = %scan3A_3 to %scan3A_5 step %scan3A_6 iter_args(%scan3A_33 = %scan3A) -> (i32)  : i32 {
      %add3A_34 = arith.addi %mul3A_2, %scan3A_32 : i32
      %shift_right_logical3A = arith.constant 2 : i32
      %shift_right_logical3A_35 = arith.shrui %add3A_34, %shift_right_logical3A : i32
      %and3A = arith.constant 3 : i32
      %and3A_36 = arith.andi %add3A_34, %and3A : i32
      %mul3A_37 = arith.constant 40 : i32
      %mul3A_38 = arith.muli %and3A_36, %mul3A_37 : i32
      %ne3A = arith.cmpi ne, %shift_right_logical3A_35, %scan3A_33 : i32
      %convert_element_type3A = arith.extui %ne3A : i1 to i32
      %cond3A = arith.constant 0 : i32
      %cond3A_39 = arith.cmpi ne, %convert_element_type3A, %cond3A : i32
      scf.if %cond3A_39 {
        "tpu.region"() ({
          %run_scoped3A = tpu.sem_alloc : memref<!tpu.dma_semaphore, #tpu.memory_space<semaphore_mem>>
          %dma_start3A_128 = arith.constant 0 : i32
          %dma_start3A_129 = tpu.memref_slice %arg2[%shift_right_logical3A_35, %dma_start3A_128] : memref<200x16384xf32, #tpu.memory_space<hbm>> -> memref<1x16384xf32, #tpu.memory_space<hbm>>
          %dma_start3A_130 = tpu.memref_squeeze %dma_start3A_129 : memref<1x16384xf32, #tpu.memory_space<hbm>> -> memref<16384xf32, #tpu.memory_space<hbm>>
          %dma_start3A_131 = arith.constant 0 : i32
          %dma_start3A_132 = tpu.memref_slice %arg2[%shift_right_logical3A_35, %dma_start3A_131] : memref<200x16384xf32, #tpu.memory_space<hbm>> -> memref<1x16384xf32, #tpu.memory_space<hbm>>
          %dma_start3A_133 = tpu.memref_squeeze %dma_start3A_132 : memref<1x16384xf32, #tpu.memory_space<hbm>> -> memref<16384xf32, #tpu.memory_space<hbm>>
          tpu.enqueue_dma source(%dma_start3A_133 : memref<16384xf32, #tpu.memory_space<hbm>>) target(%arg5 : memref<16384xf32, #tpu.memory_space<vmem>>) target_semaphore(%run_scoped3A : memref<!tpu.dma_semaphore, #tpu.memory_space<semaphore_mem>>)
          %dma_wait3A_134 = arith.constant 0 : i32
          %dma_wait3A_135 = tpu.memref_slice %arg2[%shift_right_logical3A_35, %dma_wait3A_134] : memref<200x16384xf32, #tpu.memory_space<hbm>> -> memref<1x16384xf32, #tpu.memory_space<hbm>>
          %dma_wait3A_136 = tpu.memref_squeeze %dma_wait3A_135 : memref<1x16384xf32, #tpu.memory_space<hbm>> -> memref<16384xf32, #tpu.memory_space<hbm>>
          %dma_wait3A_137 = arith.constant 0 : i32
          %dma_wait3A_138 = tpu.memref_slice %arg2[%shift_right_logical3A_35, %dma_wait3A_137] : memref<200x16384xf32, #tpu.memory_space<hbm>> -> memref<1x16384xf32, #tpu.memory_space<hbm>>
          %dma_wait3A_139 = tpu.memref_squeeze %dma_wait3A_138 : memref<1x16384xf32, #tpu.memory_space<hbm>> -> memref<16384xf32, #tpu.memory_space<hbm>>
          tpu.wait_dma2 semaphore(%run_scoped3A : memref<!tpu.dma_semaphore, #tpu.memory_space<semaphore_mem>>) src(%dma_wait3A_139 : memref<16384xf32, #tpu.memory_space<hbm>>) dst(%arg5 : memref<16384xf32, #tpu.memory_space<vmem>>)
          tpu.yield
        }) : () -> ()
        %parallel_loop3A_125 = arith.constant 0 : i32
        %parallel_loop3A_126 = arith.constant 1024 : i32
        %parallel_loop3A_127 = arith.constant 1 : i32
        scf.for %parallel_loop3A_128 = %parallel_loop3A_125 to %parallel_loop3A_126 step %parallel_loop3A_127  : i32 {
          %parallel_loop3A_129 = arith.constant 16 : i32
          %parallel_loop3A_130 = arith.muli %parallel_loop3A_128, %parallel_loop3A_129 : i32
          %parallel_loop3A_131 = arith.index_cast %parallel_loop3A_130 : i32 to index
          %parallel_loop3A_132 = tpu.vector_load %arg5[%parallel_loop3A_131] {strides = array<i32>} : memref<16384xf32, #tpu.memory_space<vmem>>, vector<16xf32>,
          %parallel_loop3A_133 = arith.constant 0 : i32
          %parallel_loop3A_134 = vector.broadcast %parallel_loop3A_133 : i32 to vector<16xi32>
          %parallel_loop3A_135 = arith.constant 5.000000e+00 : f32
          %parallel_loop3A_136 = vector.broadcast %parallel_loop3A_135 : f32 to vector<16xf32>
          %parallel_loop3A_137 = arith.constant 0.000000e+00 : f32
          %parallel_loop3A_138 = vector.broadcast %parallel_loop3A_137 : f32 to vector<16xf32>
          %parallel_loop3A_139 = arith.subf %parallel_loop3A_132, %parallel_loop3A_138 : vector<16xf32>
          %parallel_loop3A_140 = math.absf %parallel_loop3A_139 : vector<16xf32>
          %parallel_loop3A_141 = arith.cmpf ole, %parallel_loop3A_140, %parallel_loop3A_136 : vector<16xf32>
          %parallel_loop3A_142 = arith.constant 4 : i32
          %parallel_loop3A_143 = vector.broadcast %parallel_loop3A_142 : i32 to vector<16xi32>
          %parallel_loop3A_144 = arith.select %parallel_loop3A_141, %parallel_loop3A_143, %parallel_loop3A_134 : vector<16xi1>, vector<16xi32>
          %parallel_loop3A_145 = arith.constant 1.800000e+02 : f32
          %parallel_loop3A_146 = vector.broadcast %parallel_loop3A_145 : f32 to vector<16xf32>
          %parallel_loop3A_147 = arith.subf %parallel_loop3A_132, %parallel_loop3A_146 : vector<16xf32>
          %parallel_loop3A_148 = math.absf %parallel_loop3A_147 : vector<16xf32>
          %parallel_loop3A_149 = arith.cmpf ole, %parallel_loop3A_148, %parallel_loop3A_136 : vector<16xf32>
          %parallel_loop3A_150 = arith.constant 3 : i32
          %parallel_loop3A_151 = vector.broadcast %parallel_loop3A_150 : i32 to vector<16xi32>
          %parallel_loop3A_152 = arith.select %parallel_loop3A_149, %parallel_loop3A_151, %parallel_loop3A_144 : vector<16xi1>, vector<16xi32>
          %parallel_loop3A_153 = arith.constant 1.200000e+02 : f32
          %parallel_loop3A_154 = vector.broadcast %parallel_loop3A_153 : f32 to vector<16xf32>
          %parallel_loop3A_155 = arith.subf %parallel_loop3A_132, %parallel_loop3A_154 : vector<16xf32>
          %parallel_loop3A_156 = math.absf %parallel_loop3A_155 : vector<16xf32>
          %parallel_loop3A_157 = arith.cmpf ole, %parallel_loop3A_156, %parallel_loop3A_136 : vector<16xf32>
          %parallel_loop3A_158 = arith.constant 2 : i32
          %parallel_loop3A_159 = vector.broadcast %parallel_loop3A_158 : i32 to vector<16xi32>
          %parallel_loop3A_160 = arith.select %parallel_loop3A_157, %parallel_loop3A_159, %parallel_loop3A_152 : vector<16xi1>, vector<16xi32>
          %parallel_loop3A_161 = arith.constant 1.095000e+02 : f32
          %parallel_loop3A_162 = vector.broadcast %parallel_loop3A_161 : f32 to vector<16xf32>
          %parallel_loop3A_163 = arith.subf %parallel_loop3A_132, %parallel_loop3A_162 : vector<16xf32>
          %parallel_loop3A_164 = math.absf %parallel_loop3A_163 : vector<16xf32>
          %parallel_loop3A_165 = arith.cmpf ole, %parallel_loop3A_164, %parallel_loop3A_136 : vector<16xf32>
          %parallel_loop3A_166 = arith.constant 1 : i32
          %parallel_loop3A_167 = vector.broadcast %parallel_loop3A_166 : i32 to vector<16xi32>
          %parallel_loop3A_168 = arith.select %parallel_loop3A_165, %parallel_loop3A_167, %parallel_loop3A_160 : vector<16xi1>, vector<16xi32>
          %parallel_loop3A_169 = arith.constant 9.000000e+01 : f32
          %parallel_loop3A_170 = vector.broadcast %parallel_loop3A_169 : f32 to vector<16xf32>
          %parallel_loop3A_171 = arith.subf %parallel_loop3A_132, %parallel_loop3A_170 : vector<16xf32>
          %parallel_loop3A_172 = math.absf %parallel_loop3A_171 : vector<16xf32>
          %parallel_loop3A_173 = arith.cmpf ole, %parallel_loop3A_172, %parallel_loop3A_136 : vector<16xf32>
          %parallel_loop3A_174 = arith.constant 0 : i32
          %parallel_loop3A_175 = vector.broadcast %parallel_loop3A_174 : i32 to vector<16xi32>
          %parallel_loop3A_176 = arith.select %parallel_loop3A_173, %parallel_loop3A_175, %parallel_loop3A_168 : vector<16xi1>, vector<16xi32>
          %parallel_loop3A_177 = arith.constant 16 : i32
          %parallel_loop3A_178 = arith.muli %parallel_loop3A_128, %parallel_loop3A_177 : i32
          %parallel_loop3A_179 = arith.index_cast %parallel_loop3A_178 : i32 to index
          %parallel_loop3A_180 = tpu.vector_load %arg6[%parallel_loop3A_179] {strides = array<i32>} : memref<16384xi32, #tpu.memory_space<vmem>>, vector<16xi32>,
          tpu.vector_store %arg6[%parallel_loop3A_179], %parallel_loop3A_176 {strides = array<i32>} : memref<16384xi32, #tpu.memory_space<vmem>>, vector<16xi32>,
        } {sc.loop_unroll_factor = 4 : i64, sc.parallel_access}
      } else {
      }
      %mul3A_40 = arith.constant 4 : i32
      %mul3A_41 = arith.muli %scan3A_32, %mul3A_40 : i32
      %add3A_42 = arith.constant 0 : i32
      %add3A_43 = arith.addi %mul3A_41, %add3A_42 : i32
      %ge3A = arith.constant 2 : i32
      %ge3A_44 = arith.cmpi sge, %add3A_43, %ge3A : i32
      %convert_element_type3A_45 = arith.extui %ge3A_44 : i1 to i32
      %cond3A_46 = arith.constant 0 : i32
      %cond3A_47 = arith.cmpi ne, %convert_element_type3A_45, %cond3A_46 : i32
      scf.if %cond3A_47 {
        %dma_wait3A_125 = arith.constant 0 : i32
        %dma_wait3A_126 = arith.constant 0 : i32
        %dma_wait3A_127 = arith.constant 0 : i32
        %dma_wait3A_128 = arith.constant 0 : i32
        %dma_wait3A_129 = arith.constant 0 : i32
        %dma_wait3A_130 = tpu.memref_slice %arg4[%dma_wait3A_125, %dma_wait3A_126, %dma_wait3A_127, %dma_wait3A_128, %dma_wait3A_129] : memref<200x4x128x8x128xf32, #tpu.memory_space<hbm>> -> memref<1x1x32x8x128xf32, #tpu.memory_space<hbm>>
        %dma_wait3A_131 = tpu.memref_squeeze %dma_wait3A_130 : memref<1x1x32x8x128xf32, #tpu.memory_space<hbm>> -> memref<32x8x128xf32, #tpu.memory_space<hbm>>
        %dma_wait3A_132 = arith.constant 0 : i32
        %dma_wait3A_133 = arith.constant 0 : i32
        %dma_wait3A_134 = arith.constant 0 : i32
        %dma_wait3A_135 = tpu.memref_slice %arg4[%dma_wait3A_125, %dma_wait3A_126, %dma_wait3A_132, %dma_wait3A_133, %dma_wait3A_134] : memref<200x4x128x8x128xf32, #tpu.memory_space<hbm>> -> memref<1x1x32x8x128xf32, #tpu.memory_space<hbm>>
        %dma_wait3A_136 = tpu.memref_squeeze %dma_wait3A_135 : memref<1x1x32x8x128xf32, #tpu.memory_space<hbm>> -> memref<32x8x128xf32, #tpu.memory_space<hbm>>
        tpu.wait_dma2 semaphore(%arg10 : memref<!tpu.dma_semaphore, #tpu.memory_space<semaphore_mem>>) src(%arg7 : memref<32x8x128xf32, #tpu.memory_space<vmem>>) dst(%dma_wait3A_136 : memref<32x8x128xf32, #tpu.memory_space<hbm>>)
      } else {
      }
      %parallel_loop3A = arith.constant 0 : i32
      %parallel_loop3A_48 = arith.constant 256 : i32
      %parallel_loop3A_49 = arith.constant 1 : i32
      scf.for %parallel_loop3A_125 = %parallel_loop3A to %parallel_loop3A_48 step %parallel_loop3A_49  : i32 {
        %parallel_loop3A_126 = arith.constant 3 : i32
        %parallel_loop3A_127 = arith.shrui %parallel_loop3A_125, %parallel_loop3A_126 : i32
        %parallel_loop3A_128 = arith.constant 7 : i32
        %parallel_loop3A_129 = arith.andi %parallel_loop3A_125, %parallel_loop3A_128 : i32
        %parallel_loop3A_130 = arith.constant 128 : i32
        %parallel_loop3A_131 = arith.muli %parallel_loop3A_127, %parallel_loop3A_130 : i32
        %parallel_loop3A_132 = arith.constant 0 : i32
        %parallel_loop3A_133 = arith.addi %parallel_loop3A_132, %parallel_loop3A_131 : i32
        %parallel_loop3A_134 = arith.constant 16 : i32
        %parallel_loop3A_135 = arith.muli %parallel_loop3A_129, %parallel_loop3A_134 : i32
        %parallel_loop3A_136 = arith.addi %parallel_loop3A_133, %parallel_loop3A_135 : i32
        %parallel_loop3A_137 = arith.index_cast %parallel_loop3A_136 : i32 to index
        %parallel_loop3A_138 = tpu.vector_load %arg6[%parallel_loop3A_137] {strides = array<i32>} : memref<16384xi32, #tpu.memory_space<vmem>>, vector<16xi32>,
        %parallel_loop3A_139 = vector.broadcast %mul3A_38 : i32 to vector<16xi32>
        %parallel_loop3A_140 = arith.addi %parallel_loop3A_138, %parallel_loop3A_139 : vector<16xi32>
        %parallel_loop3A_141 = arith.constant 0 : i32
        %parallel_loop3A_142 = vector.broadcast %parallel_loop3A_141 : i32 to vector<16xi32>
        %parallel_loop3A_143 = arith.addi %parallel_loop3A_140, %parallel_loop3A_142 : vector<16xi32>
        %parallel_loop3A_144 = tpu.vector_load_idx %arg9[%parallel_loop3A_143] : memref<256xf32, #tpu.memory_space<vmem>>[vector<16xi32>], vector<16xf32>,
        %parallel_loop3A_145 = arith.constant 16 : i32
        %parallel_loop3A_146 = arith.muli %parallel_loop3A_129, %parallel_loop3A_145 : i32
        %parallel_loop3A_147 = arith.constant 0 : i32
        %parallel_loop3A_148 = arith.index_cast %parallel_loop3A_127 : i32 to index
        %parallel_loop3A_149 = arith.index_cast %parallel_loop3A_147 : i32 to index
        %parallel_loop3A_150 = arith.index_cast %parallel_loop3A_146 : i32 to index
        %parallel_loop3A_151 = tpu.vector_load %arg7[%parallel_loop3A_148, %parallel_loop3A_149, %parallel_loop3A_150] {strides = array<i32>} : memref<32x8x128xf32, #tpu.memory_space<vmem>>, vector<16xf32>,
        tpu.vector_store %arg7[%parallel_loop3A_148, %parallel_loop3A_149, %parallel_loop3A_150], %parallel_loop3A_144 {strides = array<i32>} : memref<32x8x128xf32, #tpu.memory_space<vmem>>, vector<16xf32>,
        %parallel_loop3A_152 = arith.constant 5 : i32
        %parallel_loop3A_153 = vector.broadcast %parallel_loop3A_152 : i32 to vector<16xi32>
        %parallel_loop3A_154 = arith.addi %parallel_loop3A_140, %parallel_loop3A_153 : vector<16xi32>
        %parallel_loop3A_155 = tpu.vector_load_idx %arg9[%parallel_loop3A_154] : memref<256xf32, #tpu.memory_space<vmem>>[vector<16xi32>], vector<16xf32>,
        %parallel_loop3A_156 = arith.constant 16 : i32
        %parallel_loop3A_157 = arith.muli %parallel_loop3A_129, %parallel_loop3A_156 : i32
        %parallel_loop3A_158 = arith.constant 1 : i32
        %parallel_loop3A_159 = arith.index_cast %parallel_loop3A_127 : i32 to index
        %parallel_loop3A_160 = arith.index_cast %parallel_loop3A_158 : i32 to index
        %parallel_loop3A_161 = arith.index_cast %parallel_loop3A_157 : i32 to index
        %parallel_loop3A_162 = tpu.vector_load %arg7[%parallel_loop3A_159, %parallel_loop3A_160, %parallel_loop3A_161] {strides = array<i32>} : memref<32x8x128xf32, #tpu.memory_space<vmem>>, vector<16xf32>,
        tpu.vector_store %arg7[%parallel_loop3A_159, %parallel_loop3A_160, %parallel_loop3A_161], %parallel_loop3A_155 {strides = array<i32>} : memref<32x8x128xf32, #tpu.memory_space<vmem>>, vector<16xf32>,
        %parallel_loop3A_163 = arith.constant 10 : i32
        %parallel_loop3A_164 = vector.broadcast %parallel_loop3A_163 : i32 to vector<16xi32>
        %parallel_loop3A_165 = arith.addi %parallel_loop3A_140, %parallel_loop3A_164 : vector<16xi32>
        %parallel_loop3A_166 = tpu.vector_load_idx %arg9[%parallel_loop3A_165] : memref<256xf32, #tpu.memory_space<vmem>>[vector<16xi32>], vector<16xf32>,
        %parallel_loop3A_167 = arith.constant 16 : i32
        %parallel_loop3A_168 = arith.muli %parallel_loop3A_129, %parallel_loop3A_167 : i32
        %parallel_loop3A_169 = arith.constant 2 : i32
        %parallel_loop3A_170 = arith.index_cast %parallel_loop3A_127 : i32 to index
        %parallel_loop3A_171 = arith.index_cast %parallel_loop3A_169 : i32 to index
        %parallel_loop3A_172 = arith.index_cast %parallel_loop3A_168 : i32 to index
        %parallel_loop3A_173 = tpu.vector_load %arg7[%parallel_loop3A_170, %parallel_loop3A_171, %parallel_loop3A_172] {strides = array<i32>} : memref<32x8x128xf32, #tpu.memory_space<vmem>>, vector<16xf32>,
        tpu.vector_store %arg7[%parallel_loop3A_170, %parallel_loop3A_171, %parallel_loop3A_172], %parallel_loop3A_166 {strides = array<i32>} : memref<32x8x128xf32, #tpu.memory_space<vmem>>, vector<16xf32>,
        %parallel_loop3A_174 = arith.constant 15 : i32
        %parallel_loop3A_175 = vector.broadcast %parallel_loop3A_174 : i32 to vector<16xi32>
        %parallel_loop3A_176 = arith.addi %parallel_loop3A_140, %parallel_loop3A_175 : vector<16xi32>
        %parallel_loop3A_177 = tpu.vector_load_idx %arg9[%parallel_loop3A_176] : memref<256xf32, #tpu.memory_space<vmem>>[vector<16xi32>], vector<16xf32>,
        %parallel_loop3A_178 = arith.constant 16 : i32
        %parallel_loop3A_179 = arith.muli %parallel_loop3A_129, %parallel_loop3A_178 : i32
        %parallel_loop3A_180 = arith.constant 3 : i32
        %parallel_loop3A_181 = arith.index_cast %parallel_loop3A_127 : i32 to index
        %parallel_loop3A_182 = arith.index_cast %parallel_loop3A_180 : i32 to index
        %parallel_loop3A_183 = arith.index_cast %parallel_loop3A_179 : i32 to index
        %parallel_loop3A_184 = tpu.vector_load %arg7[%parallel_loop3A_181, %parallel_loop3A_182, %parallel_loop3A_183] {strides = array<i32>} : memref<32x8x128xf32, #tpu.memory_space<vmem>>, vector<16xf32>,
        tpu.vector_store %arg7[%parallel_loop3A_181, %parallel_loop3A_182, %parallel_loop3A_183], %parallel_loop3A_177 {strides = array<i32>} : memref<32x8x128xf32, #tpu.memory_space<vmem>>, vector<16xf32>,
        %parallel_loop3A_185 = arith.constant 20 : i32
        %parallel_loop3A_186 = vector.broadcast %parallel_loop3A_185 : i32 to vector<16xi32>
        %parallel_loop3A_187 = arith.addi %parallel_loop3A_140, %parallel_loop3A_186 : vector<16xi32>
        %parallel_loop3A_188 = tpu.vector_load_idx %arg9[%parallel_loop3A_187] : memref<256xf32, #tpu.memory_space<vmem>>[vector<16xi32>], vector<16xf32>,
        %parallel_loop3A_189 = arith.constant 16 : i32
        %parallel_loop3A_190 = arith.muli %parallel_loop3A_129, %parallel_loop3A_189 : i32
        %parallel_loop3A_191 = arith.constant 4 : i32
        %parallel_loop3A_192 = arith.index_cast %parallel_loop3A_127 : i32 to index
        %parallel_loop3A_193 = arith.index_cast %parallel_loop3A_191 : i32 to index
        %parallel_loop3A_194 = arith.index_cast %parallel_loop3A_190 : i32 to index
        %parallel_loop3A_195 = tpu.vector_load %arg7[%parallel_loop3A_192, %parallel_loop3A_193, %parallel_loop3A_194] {strides = array<i32>} : memref<32x8x128xf32, #tpu.memory_space<vmem>>, vector<16xf32>,
        tpu.vector_store %arg7[%parallel_loop3A_192, %parallel_loop3A_193, %parallel_loop3A_194], %parallel_loop3A_188 {strides = array<i32>} : memref<32x8x128xf32, #tpu.memory_space<vmem>>, vector<16xf32>,
        %parallel_loop3A_196 = arith.constant 25 : i32
        %parallel_loop3A_197 = vector.broadcast %parallel_loop3A_196 : i32 to vector<16xi32>
        %parallel_loop3A_198 = arith.addi %parallel_loop3A_140, %parallel_loop3A_197 : vector<16xi32>
        %parallel_loop3A_199 = tpu.vector_load_idx %arg9[%parallel_loop3A_198] : memref<256xf32, #tpu.memory_space<vmem>>[vector<16xi32>], vector<16xf32>,
        %parallel_loop3A_200 = arith.constant 16 : i32
        %parallel_loop3A_201 = arith.muli %parallel_loop3A_129, %parallel_loop3A_200 : i32
        %parallel_loop3A_202 = arith.constant 5 : i32
        %parallel_loop3A_203 = arith.index_cast %parallel_loop3A_127 : i32 to index
        %parallel_loop3A_204 = arith.index_cast %parallel_loop3A_202 : i32 to index
        %parallel_loop3A_205 = arith.index_cast %parallel_loop3A_201 : i32 to index
        %parallel_loop3A_206 = tpu.vector_load %arg7[%parallel_loop3A_203, %parallel_loop3A_204, %parallel_loop3A_205] {strides = array<i32>} : memref<32x8x128xf32, #tpu.memory_space<vmem>>, vector<16xf32>,
        tpu.vector_store %arg7[%parallel_loop3A_203, %parallel_loop3A_204, %parallel_loop3A_205], %parallel_loop3A_199 {strides = array<i32>} : memref<32x8x128xf32, #tpu.memory_space<vmem>>, vector<16xf32>,
        %parallel_loop3A_207 = arith.constant 30 : i32
        %parallel_loop3A_208 = vector.broadcast %parallel_loop3A_207 : i32 to vector<16xi32>
        %parallel_loop3A_209 = arith.addi %parallel_loop3A_140, %parallel_loop3A_208 : vector<16xi32>
        %parallel_loop3A_210 = tpu.vector_load_idx %arg9[%parallel_loop3A_209] : memref<256xf32, #tpu.memory_space<vmem>>[vector<16xi32>], vector<16xf32>,
        %parallel_loop3A_211 = arith.constant 16 : i32
        %parallel_loop3A_212 = arith.muli %parallel_loop3A_129, %parallel_loop3A_211 : i32
        %parallel_loop3A_213 = arith.constant 6 : i32
        %parallel_loop3A_214 = arith.index_cast %parallel_loop3A_127 : i32 to index
        %parallel_loop3A_215 = arith.index_cast %parallel_loop3A_213 : i32 to index
        %parallel_loop3A_216 = arith.index_cast %parallel_loop3A_212 : i32 to index
        %parallel_loop3A_217 = tpu.vector_load %arg7[%parallel_loop3A_214, %parallel_loop3A_215, %parallel_loop3A_216] {strides = array<i32>} : memref<32x8x128xf32, #tpu.memory_space<vmem>>, vector<16xf32>,
        tpu.vector_store %arg7[%parallel_loop3A_214, %parallel_loop3A_215, %parallel_loop3A_216], %parallel_loop3A_210 {strides = array<i32>} : memref<32x8x128xf32, #tpu.memory_space<vmem>>, vector<16xf32>,
        %parallel_loop3A_218 = arith.constant 35 : i32
        %parallel_loop3A_219 = vector.broadcast %parallel_loop3A_218 : i32 to vector<16xi32>
        %parallel_loop3A_220 = arith.addi %parallel_loop3A_140, %parallel_loop3A_219 : vector<16xi32>
        %parallel_loop3A_221 = tpu.vector_load_idx %arg9[%parallel_loop3A_220] : memref<256xf32, #tpu.memory_space<vmem>>[vector<16xi32>], vector<16xf32>,
        %parallel_loop3A_222 = arith.constant 16 : i32
        %parallel_loop3A_223 = arith.muli %parallel_loop3A_129, %parallel_loop3A_222 : i32
        %parallel_loop3A_224 = arith.constant 7 : i32
        %parallel_loop3A_225 = arith.index_cast %parallel_loop3A_127 : i32 to index
        %parallel_loop3A_226 = arith.index_cast %parallel_loop3A_224 : i32 to index
        %parallel_loop3A_227 = arith.index_cast %parallel_loop3A_223 : i32 to index
        %parallel_loop3A_228 = tpu.vector_load %arg7[%parallel_loop3A_225, %parallel_loop3A_226, %parallel_loop3A_227] {strides = array<i32>} : memref<32x8x128xf32, #tpu.memory_space<vmem>>, vector<16xf32>,
        tpu.vector_store %arg7[%parallel_loop3A_225, %parallel_loop3A_226, %parallel_loop3A_227], %parallel_loop3A_221 {strides = array<i32>} : memref<32x8x128xf32, #tpu.memory_space<vmem>>, vector<16xf32>,
      } {sc.loop_unroll_factor = 8 : i64, sc.parallel_access}
      %dma_start3A = arith.constant 0 : i32
      %dma_start3A_50 = arith.constant 0 : i32
      %dma_start3A_51 = arith.constant 0 : i32
      %dma_start3A_52 = tpu.memref_slice %arg4[%shift_right_logical3A_35, %and3A_36, %dma_start3A, %dma_start3A_50, %dma_start3A_51] : memref<200x4x128x8x128xf32, #tpu.memory_space<hbm>> -> memref<1x1x32x8x128xf32, #tpu.memory_space<hbm>>
      %dma_start3A_53 = tpu.memref_squeeze %dma_start3A_52 : memref<1x1x32x8x128xf32, #tpu.memory_space<hbm>> -> memref<32x8x128xf32, #tpu.memory_space<hbm>>
      %dma_start3A_54 = arith.constant 0 : i32
      %dma_start3A_55 = arith.constant 0 : i32
      %dma_start3A_56 = arith.constant 0 : i32
      %dma_start3A_57 = tpu.memref_slice %arg4[%shift_right_logical3A_35, %and3A_36, %dma_start3A_54, %dma_start3A_55, %dma_start3A_56] : memref<200x4x128x8x128xf32, #tpu.memory_space<hbm>> -> memref<1x1x32x8x128xf32, #tpu.memory_space<hbm>>
      %dma_start3A_58 = tpu.memref_squeeze %dma_start3A_57 : memref<1x1x32x8x128xf32, #tpu.memory_space<hbm>> -> memref<32x8x128xf32, #tpu.memory_space<hbm>>
      tpu.enqueue_dma source(%arg7 : memref<32x8x128xf32, #tpu.memory_space<vmem>>) target(%dma_start3A_58 : memref<32x8x128xf32, #tpu.memory_space<hbm>>) target_semaphore(%arg10 : memref<!tpu.dma_semaphore, #tpu.memory_space<semaphore_mem>>)
      %mul3A_59 = arith.constant 4 : i32
      %mul3A_60 = arith.muli %scan3A_32, %mul3A_59 : i32
      %add3A_61 = arith.constant 1 : i32
      %add3A_62 = arith.addi %mul3A_60, %add3A_61 : i32
      %ge3A_63 = arith.constant 2 : i32
      %ge3A_64 = arith.cmpi sge, %add3A_62, %ge3A_63 : i32
      %convert_element_type3A_65 = arith.extui %ge3A_64 : i1 to i32
      %cond3A_66 = arith.constant 0 : i32
      %cond3A_67 = arith.cmpi ne, %convert_element_type3A_65, %cond3A_66 : i32
      scf.if %cond3A_67 {
        %dma_wait3A_125 = arith.constant 0 : i32
        %dma_wait3A_126 = arith.constant 0 : i32
        %dma_wait3A_127 = arith.constant 0 : i32
        %dma_wait3A_128 = arith.constant 0 : i32
        %dma_wait3A_129 = arith.constant 0 : i32
        %dma_wait3A_130 = tpu.memref_slice %arg4[%dma_wait3A_125, %dma_wait3A_126, %dma_wait3A_127, %dma_wait3A_128, %dma_wait3A_129] : memref<200x4x128x8x128xf32, #tpu.memory_space<hbm>> -> memref<1x1x32x8x128xf32, #tpu.memory_space<hbm>>
        %dma_wait3A_131 = tpu.memref_squeeze %dma_wait3A_130 : memref<1x1x32x8x128xf32, #tpu.memory_space<hbm>> -> memref<32x8x128xf32, #tpu.memory_space<hbm>>
        %dma_wait3A_132 = arith.constant 0 : i32
        %dma_wait3A_133 = arith.constant 0 : i32
        %dma_wait3A_134 = arith.constant 0 : i32
        %dma_wait3A_135 = tpu.memref_slice %arg4[%dma_wait3A_125, %dma_wait3A_126, %dma_wait3A_132, %dma_wait3A_133, %dma_wait3A_134] : memref<200x4x128x8x128xf32, #tpu.memory_space<hbm>> -> memref<1x1x32x8x128xf32, #tpu.memory_space<hbm>>
        %dma_wait3A_136 = tpu.memref_squeeze %dma_wait3A_135 : memref<1x1x32x8x128xf32, #tpu.memory_space<hbm>> -> memref<32x8x128xf32, #tpu.memory_space<hbm>>
        tpu.wait_dma2 semaphore(%arg11 : memref<!tpu.dma_semaphore, #tpu.memory_space<semaphore_mem>>) src(%arg8 : memref<32x8x128xf32, #tpu.memory_space<vmem>>) dst(%dma_wait3A_136 : memref<32x8x128xf32, #tpu.memory_space<hbm>>)
      } else {
      }
      %parallel_loop3A_68 = arith.constant 0 : i32
      %parallel_loop3A_69 = arith.constant 256 : i32
      %parallel_loop3A_70 = arith.constant 1 : i32
      scf.for %parallel_loop3A_125 = %parallel_loop3A_68 to %parallel_loop3A_69 step %parallel_loop3A_70  : i32 {
        %parallel_loop3A_126 = arith.constant 3 : i32
        %parallel_loop3A_127 = arith.shrui %parallel_loop3A_125, %parallel_loop3A_126 : i32
        %parallel_loop3A_128 = arith.constant 7 : i32
        %parallel_loop3A_129 = arith.andi %parallel_loop3A_125, %parallel_loop3A_128 : i32
        %parallel_loop3A_130 = arith.constant 128 : i32
        %parallel_loop3A_131 = arith.muli %parallel_loop3A_127, %parallel_loop3A_130 : i32
        %parallel_loop3A_132 = arith.constant 4096 : i32
        %parallel_loop3A_133 = arith.addi %parallel_loop3A_132, %parallel_loop3A_131 : i32
        %parallel_loop3A_134 = arith.constant 16 : i32
        %parallel_loop3A_135 = arith.muli %parallel_loop3A_129, %parallel_loop3A_134 : i32
        %parallel_loop3A_136 = arith.addi %parallel_loop3A_133, %parallel_loop3A_135 : i32
        %parallel_loop3A_137 = arith.index_cast %parallel_loop3A_136 : i32 to index
        %parallel_loop3A_138 = tpu.vector_load %arg6[%parallel_loop3A_137] {strides = array<i32>} : memref<16384xi32, #tpu.memory_space<vmem>>, vector<16xi32>,
        %parallel_loop3A_139 = vector.broadcast %mul3A_38 : i32 to vector<16xi32>
        %parallel_loop3A_140 = arith.addi %parallel_loop3A_138, %parallel_loop3A_139 : vector<16xi32>
        %parallel_loop3A_141 = arith.constant 0 : i32
        %parallel_loop3A_142 = vector.broadcast %parallel_loop3A_141 : i32 to vector<16xi32>
        %parallel_loop3A_143 = arith.addi %parallel_loop3A_140, %parallel_loop3A_142 : vector<16xi32>
        %parallel_loop3A_144 = tpu.vector_load_idx %arg9[%parallel_loop3A_143] : memref<256xf32, #tpu.memory_space<vmem>>[vector<16xi32>], vector<16xf32>,
        %parallel_loop3A_145 = arith.constant 16 : i32
        %parallel_loop3A_146 = arith.muli %parallel_loop3A_129, %parallel_loop3A_145 : i32
        %parallel_loop3A_147 = arith.constant 0 : i32
        %parallel_loop3A_148 = arith.index_cast %parallel_loop3A_127 : i32 to index
        %parallel_loop3A_149 = arith.index_cast %parallel_loop3A_147 : i32 to index
        %parallel_loop3A_150 = arith.index_cast %parallel_loop3A_146 : i32 to index
        %parallel_loop3A_151 = tpu.vector_load %arg8[%parallel_loop3A_148, %parallel_loop3A_149, %parallel_loop3A_150] {strides = array<i32>} : memref<32x8x128xf32, #tpu.memory_space<vmem>>, vector<16xf32>,
        tpu.vector_store %arg8[%parallel_loop3A_148, %parallel_loop3A_149, %parallel_loop3A_150], %parallel_loop3A_144 {strides = array<i32>} : memref<32x8x128xf32, #tpu.memory_space<vmem>>, vector<16xf32>,
        %parallel_loop3A_152 = arith.constant 5 : i32
        %parallel_loop3A_153 = vector.broadcast %parallel_loop3A_152 : i32 to vector<16xi32>
        %parallel_loop3A_154 = arith.addi %parallel_loop3A_140, %parallel_loop3A_153 : vector<16xi32>
        %parallel_loop3A_155 = tpu.vector_load_idx %arg9[%parallel_loop3A_154] : memref<256xf32, #tpu.memory_space<vmem>>[vector<16xi32>], vector<16xf32>,
        %parallel_loop3A_156 = arith.constant 16 : i32
        %parallel_loop3A_157 = arith.muli %parallel_loop3A_129, %parallel_loop3A_156 : i32
        %parallel_loop3A_158 = arith.constant 1 : i32
        %parallel_loop3A_159 = arith.index_cast %parallel_loop3A_127 : i32 to index
        %parallel_loop3A_160 = arith.index_cast %parallel_loop3A_158 : i32 to index
        %parallel_loop3A_161 = arith.index_cast %parallel_loop3A_157 : i32 to index
        %parallel_loop3A_162 = tpu.vector_load %arg8[%parallel_loop3A_159, %parallel_loop3A_160, %parallel_loop3A_161] {strides = array<i32>} : memref<32x8x128xf32, #tpu.memory_space<vmem>>, vector<16xf32>,
        tpu.vector_store %arg8[%parallel_loop3A_159, %parallel_loop3A_160, %parallel_loop3A_161], %parallel_loop3A_155 {strides = array<i32>} : memref<32x8x128xf32, #tpu.memory_space<vmem>>, vector<16xf32>,
        %parallel_loop3A_163 = arith.constant 10 : i32
        %parallel_loop3A_164 = vector.broadcast %parallel_loop3A_163 : i32 to vector<16xi32>
        %parallel_loop3A_165 = arith.addi %parallel_loop3A_140, %parallel_loop3A_164 : vector<16xi32>
        %parallel_loop3A_166 = tpu.vector_load_idx %arg9[%parallel_loop3A_165] : memref<256xf32, #tpu.memory_space<vmem>>[vector<16xi32>], vector<16xf32>,
        %parallel_loop3A_167 = arith.constant 16 : i32
        %parallel_loop3A_168 = arith.muli %parallel_loop3A_129, %parallel_loop3A_167 : i32
        %parallel_loop3A_169 = arith.constant 2 : i32
        %parallel_loop3A_170 = arith.index_cast %parallel_loop3A_127 : i32 to index
        %parallel_loop3A_171 = arith.index_cast %parallel_loop3A_169 : i32 to index
        %parallel_loop3A_172 = arith.index_cast %parallel_loop3A_168 : i32 to index
        %parallel_loop3A_173 = tpu.vector_load %arg8[%parallel_loop3A_170, %parallel_loop3A_171, %parallel_loop3A_172] {strides = array<i32>} : memref<32x8x128xf32, #tpu.memory_space<vmem>>, vector<16xf32>,
        tpu.vector_store %arg8[%parallel_loop3A_170, %parallel_loop3A_171, %parallel_loop3A_172], %parallel_loop3A_166 {strides = array<i32>} : memref<32x8x128xf32, #tpu.memory_space<vmem>>, vector<16xf32>,
        %parallel_loop3A_174 = arith.constant 15 : i32
        %parallel_loop3A_175 = vector.broadcast %parallel_loop3A_174 : i32 to vector<16xi32>
        %parallel_loop3A_176 = arith.addi %parallel_loop3A_140, %parallel_loop3A_175 : vector<16xi32>
        %parallel_loop3A_177 = tpu.vector_load_idx %arg9[%parallel_loop3A_176] : memref<256xf32, #tpu.memory_space<vmem>>[vector<16xi32>], vector<16xf32>,
        %parallel_loop3A_178 = arith.constant 16 : i32
        %parallel_loop3A_179 = arith.muli %parallel_loop3A_129, %parallel_loop3A_178 : i32
        %parallel_loop3A_180 = arith.constant 3 : i32
        %parallel_loop3A_181 = arith.index_cast %parallel_loop3A_127 : i32 to index
        %parallel_loop3A_182 = arith.index_cast %parallel_loop3A_180 : i32 to index
        %parallel_loop3A_183 = arith.index_cast %parallel_loop3A_179 : i32 to index
        %parallel_loop3A_184 = tpu.vector_load %arg8[%parallel_loop3A_181, %parallel_loop3A_182, %parallel_loop3A_183] {strides = array<i32>} : memref<32x8x128xf32, #tpu.memory_space<vmem>>, vector<16xf32>,
        tpu.vector_store %arg8[%parallel_loop3A_181, %parallel_loop3A_182, %parallel_loop3A_183], %parallel_loop3A_177 {strides = array<i32>} : memref<32x8x128xf32, #tpu.memory_space<vmem>>, vector<16xf32>,
        %parallel_loop3A_185 = arith.constant 20 : i32
        %parallel_loop3A_186 = vector.broadcast %parallel_loop3A_185 : i32 to vector<16xi32>
        %parallel_loop3A_187 = arith.addi %parallel_loop3A_140, %parallel_loop3A_186 : vector<16xi32>
        %parallel_loop3A_188 = tpu.vector_load_idx %arg9[%parallel_loop3A_187] : memref<256xf32, #tpu.memory_space<vmem>>[vector<16xi32>], vector<16xf32>,
        %parallel_loop3A_189 = arith.constant 16 : i32
        %parallel_loop3A_190 = arith.muli %parallel_loop3A_129, %parallel_loop3A_189 : i32
        %parallel_loop3A_191 = arith.constant 4 : i32
        %parallel_loop3A_192 = arith.index_cast %parallel_loop3A_127 : i32 to index
        %parallel_loop3A_193 = arith.index_cast %parallel_loop3A_191 : i32 to index
        %parallel_loop3A_194 = arith.index_cast %parallel_loop3A_190 : i32 to index
        %parallel_loop3A_195 = tpu.vector_load %arg8[%parallel_loop3A_192, %parallel_loop3A_193, %parallel_loop3A_194] {strides = array<i32>} : memref<32x8x128xf32, #tpu.memory_space<vmem>>, vector<16xf32>,
        tpu.vector_store %arg8[%parallel_loop3A_192, %parallel_loop3A_193, %parallel_loop3A_194], %parallel_loop3A_188 {strides = array<i32>} : memref<32x8x128xf32, #tpu.memory_space<vmem>>, vector<16xf32>,
        %parallel_loop3A_196 = arith.constant 25 : i32
        %parallel_loop3A_197 = vector.broadcast %parallel_loop3A_196 : i32 to vector<16xi32>
        %parallel_loop3A_198 = arith.addi %parallel_loop3A_140, %parallel_loop3A_197 : vector<16xi32>
        %parallel_loop3A_199 = tpu.vector_load_idx %arg9[%parallel_loop3A_198] : memref<256xf32, #tpu.memory_space<vmem>>[vector<16xi32>], vector<16xf32>,
        %parallel_loop3A_200 = arith.constant 16 : i32
        %parallel_loop3A_201 = arith.muli %parallel_loop3A_129, %parallel_loop3A_200 : i32
        %parallel_loop3A_202 = arith.constant 5 : i32
        %parallel_loop3A_203 = arith.index_cast %parallel_loop3A_127 : i32 to index
        %parallel_loop3A_204 = arith.index_cast %parallel_loop3A_202 : i32 to index
        %parallel_loop3A_205 = arith.index_cast %parallel_loop3A_201 : i32 to index
        %parallel_loop3A_206 = tpu.vector_load %arg8[%parallel_loop3A_203, %parallel_loop3A_204, %parallel_loop3A_205] {strides = array<i32>} : memref<32x8x128xf32, #tpu.memory_space<vmem>>, vector<16xf32>,
        tpu.vector_store %arg8[%parallel_loop3A_203, %parallel_loop3A_204, %parallel_loop3A_205], %parallel_loop3A_199 {strides = array<i32>} : memref<32x8x128xf32, #tpu.memory_space<vmem>>, vector<16xf32>,
        %parallel_loop3A_207 = arith.constant 30 : i32
        %parallel_loop3A_208 = vector.broadcast %parallel_loop3A_207 : i32 to vector<16xi32>
        %parallel_loop3A_209 = arith.addi %parallel_loop3A_140, %parallel_loop3A_208 : vector<16xi32>
        %parallel_loop3A_210 = tpu.vector_load_idx %arg9[%parallel_loop3A_209] : memref<256xf32, #tpu.memory_space<vmem>>[vector<16xi32>], vector<16xf32>,
        %parallel_loop3A_211 = arith.constant 16 : i32
        %parallel_loop3A_212 = arith.muli %parallel_loop3A_129, %parallel_loop3A_211 : i32
        %parallel_loop3A_213 = arith.constant 6 : i32
        %parallel_loop3A_214 = arith.index_cast %parallel_loop3A_127 : i32 to index
        %parallel_loop3A_215 = arith.index_cast %parallel_loop3A_213 : i32 to index
        %parallel_loop3A_216 = arith.index_cast %parallel_loop3A_212 : i32 to index
        %parallel_loop3A_217 = tpu.vector_load %arg8[%parallel_loop3A_214, %parallel_loop3A_215, %parallel_loop3A_216] {strides = array<i32>} : memref<32x8x128xf32, #tpu.memory_space<vmem>>, vector<16xf32>,
        tpu.vector_store %arg8[%parallel_loop3A_214, %parallel_loop3A_215, %parallel_loop3A_216], %parallel_loop3A_210 {strides = array<i32>} : memref<32x8x128xf32, #tpu.memory_space<vmem>>, vector<16xf32>,
        %parallel_loop3A_218 = arith.constant 35 : i32
        %parallel_loop3A_219 = vector.broadcast %parallel_loop3A_218 : i32 to vector<16xi32>
        %parallel_loop3A_220 = arith.addi %parallel_loop3A_140, %parallel_loop3A_219 : vector<16xi32>
        %parallel_loop3A_221 = tpu.vector_load_idx %arg9[%parallel_loop3A_220] : memref<256xf32, #tpu.memory_space<vmem>>[vector<16xi32>], vector<16xf32>,
        %parallel_loop3A_222 = arith.constant 16 : i32
        %parallel_loop3A_223 = arith.muli %parallel_loop3A_129, %parallel_loop3A_222 : i32
        %parallel_loop3A_224 = arith.constant 7 : i32
        %parallel_loop3A_225 = arith.index_cast %parallel_loop3A_127 : i32 to index
        %parallel_loop3A_226 = arith.index_cast %parallel_loop3A_224 : i32 to index
        %parallel_loop3A_227 = arith.index_cast %parallel_loop3A_223 : i32 to index
        %parallel_loop3A_228 = tpu.vector_load %arg8[%parallel_loop3A_225, %parallel_loop3A_226, %parallel_loop3A_227] {strides = array<i32>} : memref<32x8x128xf32, #tpu.memory_space<vmem>>, vector<16xf32>,
        tpu.vector_store %arg8[%parallel_loop3A_225, %parallel_loop3A_226, %parallel_loop3A_227], %parallel_loop3A_221 {strides = array<i32>} : memref<32x8x128xf32, #tpu.memory_space<vmem>>, vector<16xf32>,
      } {sc.loop_unroll_factor = 8 : i64, sc.parallel_access}
      %dma_start3A_71 = arith.constant 32 : i32
      %dma_start3A_72 = arith.constant 0 : i32
      %dma_start3A_73 = arith.constant 0 : i32
      %dma_start3A_74 = tpu.memref_slice %arg4[%shift_right_logical3A_35, %and3A_36, %dma_start3A_71, %dma_start3A_72, %dma_start3A_73] : memref<200x4x128x8x128xf32, #tpu.memory_space<hbm>> -> memref<1x1x32x8x128xf32, #tpu.memory_space<hbm>>
      %dma_start3A_75 = tpu.memref_squeeze %dma_start3A_74 : memref<1x1x32x8x128xf32, #tpu.memory_space<hbm>> -> memref<32x8x128xf32, #tpu.memory_space<hbm>>
      %dma_start3A_76 = arith.constant 32 : i32
      %dma_start3A_77 = arith.constant 0 : i32
      %dma_start3A_78 = arith.constant 0 : i32
      %dma_start3A_79 = tpu.memref_slice %arg4[%shift_right_logical3A_35, %and3A_36, %dma_start3A_76, %dma_start3A_77, %dma_start3A_78] : memref<200x4x128x8x128xf32, #tpu.memory_space<hbm>> -> memref<1x1x32x8x128xf32, #tpu.memory_space<hbm>>
      %dma_start3A_80 = tpu.memref_squeeze %dma_start3A_79 : memref<1x1x32x8x128xf32, #tpu.memory_space<hbm>> -> memref<32x8x128xf32, #tpu.memory_space<hbm>>
      tpu.enqueue_dma source(%arg8 : memref<32x8x128xf32, #tpu.memory_space<vmem>>) target(%dma_start3A_80 : memref<32x8x128xf32, #tpu.memory_space<hbm>>) target_semaphore(%arg11 : memref<!tpu.dma_semaphore, #tpu.memory_space<semaphore_mem>>)
      %mul3A_81 = arith.constant 4 : i32
      %mul3A_82 = arith.muli %scan3A_32, %mul3A_81 : i32
      %add3A_83 = arith.constant 2 : i32
      %add3A_84 = arith.addi %mul3A_82, %add3A_83 : i32
      %ge3A_85 = arith.constant 2 : i32
      %ge3A_86 = arith.cmpi sge, %add3A_84, %ge3A_85 : i32
      %convert_element_type3A_87 = arith.extui %ge3A_86 : i1 to i32
      %cond3A_88 = arith.constant 0 : i32
      %cond3A_89 = arith.cmpi ne, %convert_element_type3A_87, %cond3A_88 : i32
      scf.if %cond3A_89 {
        %dma_wait3A_125 = arith.constant 0 : i32
        %dma_wait3A_126 = arith.constant 0 : i32
        %dma_wait3A_127 = arith.constant 0 : i32
        %dma_wait3A_128 = arith.constant 0 : i32
        %dma_wait3A_129 = arith.constant 0 : i32
        %dma_wait3A_130 = tpu.memref_slice %arg4[%dma_wait3A_125, %dma_wait3A_126, %dma_wait3A_127, %dma_wait3A_128, %dma_wait3A_129] : memref<200x4x128x8x128xf32, #tpu.memory_space<hbm>> -> memref<1x1x32x8x128xf32, #tpu.memory_space<hbm>>
        %dma_wait3A_131 = tpu.memref_squeeze %dma_wait3A_130 : memref<1x1x32x8x128xf32, #tpu.memory_space<hbm>> -> memref<32x8x128xf32, #tpu.memory_space<hbm>>
        %dma_wait3A_132 = arith.constant 0 : i32
        %dma_wait3A_133 = arith.constant 0 : i32
        %dma_wait3A_134 = arith.constant 0 : i32
        %dma_wait3A_135 = tpu.memref_slice %arg4[%dma_wait3A_125, %dma_wait3A_126, %dma_wait3A_132, %dma_wait3A_133, %dma_wait3A_134] : memref<200x4x128x8x128xf32, #tpu.memory_space<hbm>> -> memref<1x1x32x8x128xf32, #tpu.memory_space<hbm>>
        %dma_wait3A_136 = tpu.memref_squeeze %dma_wait3A_135 : memref<1x1x32x8x128xf32, #tpu.memory_space<hbm>> -> memref<32x8x128xf32, #tpu.memory_space<hbm>>
        tpu.wait_dma2 semaphore(%arg10 : memref<!tpu.dma_semaphore, #tpu.memory_space<semaphore_mem>>) src(%arg7 : memref<32x8x128xf32, #tpu.memory_space<vmem>>) dst(%dma_wait3A_136 : memref<32x8x128xf32, #tpu.memory_space<hbm>>)
      } else {
      }
      %parallel_loop3A_90 = arith.constant 0 : i32
      %parallel_loop3A_91 = arith.constant 256 : i32
      %parallel_loop3A_92 = arith.constant 1 : i32
      scf.for %parallel_loop3A_125 = %parallel_loop3A_90 to %parallel_loop3A_91 step %parallel_loop3A_92  : i32 {
        %parallel_loop3A_126 = arith.constant 3 : i32
        %parallel_loop3A_127 = arith.shrui %parallel_loop3A_125, %parallel_loop3A_126 : i32
        %parallel_loop3A_128 = arith.constant 7 : i32
        %parallel_loop3A_129 = arith.andi %parallel_loop3A_125, %parallel_loop3A_128 : i32
        %parallel_loop3A_130 = arith.constant 128 : i32
        %parallel_loop3A_131 = arith.muli %parallel_loop3A_127, %parallel_loop3A_130 : i32
        %parallel_loop3A_132 = arith.constant 8192 : i32
        %parallel_loop3A_133 = arith.addi %parallel_loop3A_132, %parallel_loop3A_131 : i32
        %parallel_loop3A_134 = arith.constant 16 : i32
        %parallel_loop3A_135 = arith.muli %parallel_loop3A_129, %parallel_loop3A_134 : i32
        %parallel_loop3A_136 = arith.addi %parallel_loop3A_133, %parallel_loop3A_135 : i32
        %parallel_loop3A_137 = arith.index_cast %parallel_loop3A_136 : i32 to index
        %parallel_loop3A_138 = tpu.vector_load %arg6[%parallel_loop3A_137] {strides = array<i32>} : memref<16384xi32, #tpu.memory_space<vmem>>, vector<16xi32>,
        %parallel_loop3A_139 = vector.broadcast %mul3A_38 : i32 to vector<16xi32>
        %parallel_loop3A_140 = arith.addi %parallel_loop3A_138, %parallel_loop3A_139 : vector<16xi32>
        %parallel_loop3A_141 = arith.constant 0 : i32
        %parallel_loop3A_142 = vector.broadcast %parallel_loop3A_141 : i32 to vector<16xi32>
        %parallel_loop3A_143 = arith.addi %parallel_loop3A_140, %parallel_loop3A_142 : vector<16xi32>
        %parallel_loop3A_144 = tpu.vector_load_idx %arg9[%parallel_loop3A_143] : memref<256xf32, #tpu.memory_space<vmem>>[vector<16xi32>], vector<16xf32>,
        %parallel_loop3A_145 = arith.constant 16 : i32
        %parallel_loop3A_146 = arith.muli %parallel_loop3A_129, %parallel_loop3A_145 : i32
        %parallel_loop3A_147 = arith.constant 0 : i32
        %parallel_loop3A_148 = arith.index_cast %parallel_loop3A_127 : i32 to index
        %parallel_loop3A_149 = arith.index_cast %parallel_loop3A_147 : i32 to index
        %parallel_loop3A_150 = arith.index_cast %parallel_loop3A_146 : i32 to index
        %parallel_loop3A_151 = tpu.vector_load %arg7[%parallel_loop3A_148, %parallel_loop3A_149, %parallel_loop3A_150] {strides = array<i32>} : memref<32x8x128xf32, #tpu.memory_space<vmem>>, vector<16xf32>,
        tpu.vector_store %arg7[%parallel_loop3A_148, %parallel_loop3A_149, %parallel_loop3A_150], %parallel_loop3A_144 {strides = array<i32>} : memref<32x8x128xf32, #tpu.memory_space<vmem>>, vector<16xf32>,
        %parallel_loop3A_152 = arith.constant 5 : i32
        %parallel_loop3A_153 = vector.broadcast %parallel_loop3A_152 : i32 to vector<16xi32>
        %parallel_loop3A_154 = arith.addi %parallel_loop3A_140, %parallel_loop3A_153 : vector<16xi32>
        %parallel_loop3A_155 = tpu.vector_load_idx %arg9[%parallel_loop3A_154] : memref<256xf32, #tpu.memory_space<vmem>>[vector<16xi32>], vector<16xf32>,
        %parallel_loop3A_156 = arith.constant 16 : i32
        %parallel_loop3A_157 = arith.muli %parallel_loop3A_129, %parallel_loop3A_156 : i32
        %parallel_loop3A_158 = arith.constant 1 : i32
        %parallel_loop3A_159 = arith.index_cast %parallel_loop3A_127 : i32 to index
        %parallel_loop3A_160 = arith.index_cast %parallel_loop3A_158 : i32 to index
        %parallel_loop3A_161 = arith.index_cast %parallel_loop3A_157 : i32 to index
        %parallel_loop3A_162 = tpu.vector_load %arg7[%parallel_loop3A_159, %parallel_loop3A_160, %parallel_loop3A_161] {strides = array<i32>} : memref<32x8x128xf32, #tpu.memory_space<vmem>>, vector<16xf32>,
        tpu.vector_store %arg7[%parallel_loop3A_159, %parallel_loop3A_160, %parallel_loop3A_161], %parallel_loop3A_155 {strides = array<i32>} : memref<32x8x128xf32, #tpu.memory_space<vmem>>, vector<16xf32>,
        %parallel_loop3A_163 = arith.constant 10 : i32
        %parallel_loop3A_164 = vector.broadcast %parallel_loop3A_163 : i32 to vector<16xi32>
        %parallel_loop3A_165 = arith.addi %parallel_loop3A_140, %parallel_loop3A_164 : vector<16xi32>
        %parallel_loop3A_166 = tpu.vector_load_idx %arg9[%parallel_loop3A_165] : memref<256xf32, #tpu.memory_space<vmem>>[vector<16xi32>], vector<16xf32>,
        %parallel_loop3A_167 = arith.constant 16 : i32
        %parallel_loop3A_168 = arith.muli %parallel_loop3A_129, %parallel_loop3A_167 : i32
        %parallel_loop3A_169 = arith.constant 2 : i32
        %parallel_loop3A_170 = arith.index_cast %parallel_loop3A_127 : i32 to index
        %parallel_loop3A_171 = arith.index_cast %parallel_loop3A_169 : i32 to index
        %parallel_loop3A_172 = arith.index_cast %parallel_loop3A_168 : i32 to index
        %parallel_loop3A_173 = tpu.vector_load %arg7[%parallel_loop3A_170, %parallel_loop3A_171, %parallel_loop3A_172] {strides = array<i32>} : memref<32x8x128xf32, #tpu.memory_space<vmem>>, vector<16xf32>,
        tpu.vector_store %arg7[%parallel_loop3A_170, %parallel_loop3A_171, %parallel_loop3A_172], %parallel_loop3A_166 {strides = array<i32>} : memref<32x8x128xf32, #tpu.memory_space<vmem>>, vector<16xf32>,
        %parallel_loop3A_174 = arith.constant 15 : i32
        %parallel_loop3A_175 = vector.broadcast %parallel_loop3A_174 : i32 to vector<16xi32>
        %parallel_loop3A_176 = arith.addi %parallel_loop3A_140, %parallel_loop3A_175 : vector<16xi32>
        %parallel_loop3A_177 = tpu.vector_load_idx %arg9[%parallel_loop3A_176] : memref<256xf32, #tpu.memory_space<vmem>>[vector<16xi32>], vector<16xf32>,
        %parallel_loop3A_178 = arith.constant 16 : i32
        %parallel_loop3A_179 = arith.muli %parallel_loop3A_129, %parallel_loop3A_178 : i32
        %parallel_loop3A_180 = arith.constant 3 : i32
        %parallel_loop3A_181 = arith.index_cast %parallel_loop3A_127 : i32 to index
        %parallel_loop3A_182 = arith.index_cast %parallel_loop3A_180 : i32 to index
        %parallel_loop3A_183 = arith.index_cast %parallel_loop3A_179 : i32 to index
        %parallel_loop3A_184 = tpu.vector_load %arg7[%parallel_loop3A_181, %parallel_loop3A_182, %parallel_loop3A_183] {strides = array<i32>} : memref<32x8x128xf32, #tpu.memory_space<vmem>>, vector<16xf32>,
        tpu.vector_store %arg7[%parallel_loop3A_181, %parallel_loop3A_182, %parallel_loop3A_183], %parallel_loop3A_177 {strides = array<i32>} : memref<32x8x128xf32, #tpu.memory_space<vmem>>, vector<16xf32>,
        %parallel_loop3A_185 = arith.constant 20 : i32
        %parallel_loop3A_186 = vector.broadcast %parallel_loop3A_185 : i32 to vector<16xi32>
        %parallel_loop3A_187 = arith.addi %parallel_loop3A_140, %parallel_loop3A_186 : vector<16xi32>
        %parallel_loop3A_188 = tpu.vector_load_idx %arg9[%parallel_loop3A_187] : memref<256xf32, #tpu.memory_space<vmem>>[vector<16xi32>], vector<16xf32>,
        %parallel_loop3A_189 = arith.constant 16 : i32
        %parallel_loop3A_190 = arith.muli %parallel_loop3A_129, %parallel_loop3A_189 : i32
        %parallel_loop3A_191 = arith.constant 4 : i32
        %parallel_loop3A_192 = arith.index_cast %parallel_loop3A_127 : i32 to index
        %parallel_loop3A_193 = arith.index_cast %parallel_loop3A_191 : i32 to index
        %parallel_loop3A_194 = arith.index_cast %parallel_loop3A_190 : i32 to index
        %parallel_loop3A_195 = tpu.vector_load %arg7[%parallel_loop3A_192, %parallel_loop3A_193, %parallel_loop3A_194] {strides = array<i32>} : memref<32x8x128xf32, #tpu.memory_space<vmem>>, vector<16xf32>,
        tpu.vector_store %arg7[%parallel_loop3A_192, %parallel_loop3A_193, %parallel_loop3A_194], %parallel_loop3A_188 {strides = array<i32>} : memref<32x8x128xf32, #tpu.memory_space<vmem>>, vector<16xf32>,
        %parallel_loop3A_196 = arith.constant 25 : i32
        %parallel_loop3A_197 = vector.broadcast %parallel_loop3A_196 : i32 to vector<16xi32>
        %parallel_loop3A_198 = arith.addi %parallel_loop3A_140, %parallel_loop3A_197 : vector<16xi32>
        %parallel_loop3A_199 = tpu.vector_load_idx %arg9[%parallel_loop3A_198] : memref<256xf32, #tpu.memory_space<vmem>>[vector<16xi32>], vector<16xf32>,
        %parallel_loop3A_200 = arith.constant 16 : i32
        %parallel_loop3A_201 = arith.muli %parallel_loop3A_129, %parallel_loop3A_200 : i32
        %parallel_loop3A_202 = arith.constant 5 : i32
        %parallel_loop3A_203 = arith.index_cast %parallel_loop3A_127 : i32 to index
        %parallel_loop3A_204 = arith.index_cast %parallel_loop3A_202 : i32 to index
        %parallel_loop3A_205 = arith.index_cast %parallel_loop3A_201 : i32 to index
        %parallel_loop3A_206 = tpu.vector_load %arg7[%parallel_loop3A_203, %parallel_loop3A_204, %parallel_loop3A_205] {strides = array<i32>} : memref<32x8x128xf32, #tpu.memory_space<vmem>>, vector<16xf32>,
        tpu.vector_store %arg7[%parallel_loop3A_203, %parallel_loop3A_204, %parallel_loop3A_205], %parallel_loop3A_199 {strides = array<i32>} : memref<32x8x128xf32, #tpu.memory_space<vmem>>, vector<16xf32>,
        %parallel_loop3A_207 = arith.constant 30 : i32
        %parallel_loop3A_208 = vector.broadcast %parallel_loop3A_207 : i32 to vector<16xi32>
        %parallel_loop3A_209 = arith.addi %parallel_loop3A_140, %parallel_loop3A_208 : vector<16xi32>
        %parallel_loop3A_210 = tpu.vector_load_idx %arg9[%parallel_loop3A_209] : memref<256xf32, #tpu.memory_space<vmem>>[vector<16xi32>], vector<16xf32>,
        %parallel_loop3A_211 = arith.constant 16 : i32
        %parallel_loop3A_212 = arith.muli %parallel_loop3A_129, %parallel_loop3A_211 : i32
        %parallel_loop3A_213 = arith.constant 6 : i32
        %parallel_loop3A_214 = arith.index_cast %parallel_loop3A_127 : i32 to index
        %parallel_loop3A_215 = arith.index_cast %parallel_loop3A_213 : i32 to index
        %parallel_loop3A_216 = arith.index_cast %parallel_loop3A_212 : i32 to index
        %parallel_loop3A_217 = tpu.vector_load %arg7[%parallel_loop3A_214, %parallel_loop3A_215, %parallel_loop3A_216] {strides = array<i32>} : memref<32x8x128xf32, #tpu.memory_space<vmem>>, vector<16xf32>,
        tpu.vector_store %arg7[%parallel_loop3A_214, %parallel_loop3A_215, %parallel_loop3A_216], %parallel_loop3A_210 {strides = array<i32>} : memref<32x8x128xf32, #tpu.memory_space<vmem>>, vector<16xf32>,
        %parallel_loop3A_218 = arith.constant 35 : i32
        %parallel_loop3A_219 = vector.broadcast %parallel_loop3A_218 : i32 to vector<16xi32>
        %parallel_loop3A_220 = arith.addi %parallel_loop3A_140, %parallel_loop3A_219 : vector<16xi32>
        %parallel_loop3A_221 = tpu.vector_load_idx %arg9[%parallel_loop3A_220] : memref<256xf32, #tpu.memory_space<vmem>>[vector<16xi32>], vector<16xf32>,
        %parallel_loop3A_222 = arith.constant 16 : i32
        %parallel_loop3A_223 = arith.muli %parallel_loop3A_129, %parallel_loop3A_222 : i32
        %parallel_loop3A_224 = arith.constant 7 : i32
        %parallel_loop3A_225 = arith.index_cast %parallel_loop3A_127 : i32 to index
        %parallel_loop3A_226 = arith.index_cast %parallel_loop3A_224 : i32 to index
        %parallel_loop3A_227 = arith.index_cast %parallel_loop3A_223 : i32 to index
        %parallel_loop3A_228 = tpu.vector_load %arg7[%parallel_loop3A_225, %parallel_loop3A_226, %parallel_loop3A_227] {strides = array<i32>} : memref<32x8x128xf32, #tpu.memory_space<vmem>>, vector<16xf32>,
        tpu.vector_store %arg7[%parallel_loop3A_225, %parallel_loop3A_226, %parallel_loop3A_227], %parallel_loop3A_221 {strides = array<i32>} : memref<32x8x128xf32, #tpu.memory_space<vmem>>, vector<16xf32>,
      } {sc.loop_unroll_factor = 8 : i64, sc.parallel_access}
      %dma_start3A_93 = arith.constant 64 : i32
      %dma_start3A_94 = arith.constant 0 : i32
      %dma_start3A_95 = arith.constant 0 : i32
      %dma_start3A_96 = tpu.memref_slice %arg4[%shift_right_logical3A_35, %and3A_36, %dma_start3A_93, %dma_start3A_94, %dma_start3A_95] : memref<200x4x128x8x128xf32, #tpu.memory_space<hbm>> -> memref<1x1x32x8x128xf32, #tpu.memory_space<hbm>>
      %dma_start3A_97 = tpu.memref_squeeze %dma_start3A_96 : memref<1x1x32x8x128xf32, #tpu.memory_space<hbm>> -> memref<32x8x128xf32, #tpu.memory_space<hbm>>
      %dma_start3A_98 = arith.constant 64 : i32
      %dma_start3A_99 = arith.constant 0 : i32
      %dma_start3A_100 = arith.constant 0 : i32
      %dma_start3A_101 = tpu.memref_slice %arg4[%shift_right_logical3A_35, %and3A_36, %dma_start3A_98, %dma_start3A_99, %dma_start3A_100] : memref<200x4x128x8x128xf32, #tpu.memory_space<hbm>> -> memref<1x1x32x8x128xf32, #tpu.memory_space<hbm>>
      %dma_start3A_102 = tpu.memref_squeeze %dma_start3A_101 : memref<1x1x32x8x128xf32, #tpu.memory_space<hbm>> -> memref<32x8x128xf32, #tpu.memory_space<hbm>>
      tpu.enqueue_dma source(%arg7 : memref<32x8x128xf32, #tpu.memory_space<vmem>>) target(%dma_start3A_102 : memref<32x8x128xf32, #tpu.memory_space<hbm>>) target_semaphore(%arg10 : memref<!tpu.dma_semaphore, #tpu.memory_space<semaphore_mem>>)
      %mul3A_103 = arith.constant 4 : i32
      %mul3A_104 = arith.muli %scan3A_32, %mul3A_103 : i32
      %add3A_105 = arith.constant 3 : i32
      %add3A_106 = arith.addi %mul3A_104, %add3A_105 : i32
      %ge3A_107 = arith.constant 2 : i32
      %ge3A_108 = arith.cmpi sge, %add3A_106, %ge3A_107 : i32
      %convert_element_type3A_109 = arith.extui %ge3A_108 : i1 to i32
      %cond3A_110 = arith.constant 0 : i32
      %cond3A_111 = arith.cmpi ne, %convert_element_type3A_109, %cond3A_110 : i32
      scf.if %cond3A_111 {
        %dma_wait3A_125 = arith.constant 0 : i32
        %dma_wait3A_126 = arith.constant 0 : i32
        %dma_wait3A_127 = arith.constant 0 : i32
        %dma_wait3A_128 = arith.constant 0 : i32
        %dma_wait3A_129 = arith.constant 0 : i32
        %dma_wait3A_130 = tpu.memref_slice %arg4[%dma_wait3A_125, %dma_wait3A_126, %dma_wait3A_127, %dma_wait3A_128, %dma_wait3A_129] : memref<200x4x128x8x128xf32, #tpu.memory_space<hbm>> -> memref<1x1x32x8x128xf32, #tpu.memory_space<hbm>>
        %dma_wait3A_131 = tpu.memref_squeeze %dma_wait3A_130 : memref<1x1x32x8x128xf32, #tpu.memory_space<hbm>> -> memref<32x8x128xf32, #tpu.memory_space<hbm>>
        %dma_wait3A_132 = arith.constant 0 : i32
        %dma_wait3A_133 = arith.constant 0 : i32
        %dma_wait3A_134 = arith.constant 0 : i32
        %dma_wait3A_135 = tpu.memref_slice %arg4[%dma_wait3A_125, %dma_wait3A_126, %dma_wait3A_132, %dma_wait3A_133, %dma_wait3A_134] : memref<200x4x128x8x128xf32, #tpu.memory_space<hbm>> -> memref<1x1x32x8x128xf32, #tpu.memory_space<hbm>>
        %dma_wait3A_136 = tpu.memref_squeeze %dma_wait3A_135 : memref<1x1x32x8x128xf32, #tpu.memory_space<hbm>> -> memref<32x8x128xf32, #tpu.memory_space<hbm>>
        tpu.wait_dma2 semaphore(%arg11 : memref<!tpu.dma_semaphore, #tpu.memory_space<semaphore_mem>>) src(%arg8 : memref<32x8x128xf32, #tpu.memory_space<vmem>>) dst(%dma_wait3A_136 : memref<32x8x128xf32, #tpu.memory_space<hbm>>)
      } else {
      }
      %parallel_loop3A_112 = arith.constant 0 : i32
      %parallel_loop3A_113 = arith.constant 256 : i32
      %parallel_loop3A_114 = arith.constant 1 : i32
      scf.for %parallel_loop3A_125 = %parallel_loop3A_112 to %parallel_loop3A_113 step %parallel_loop3A_114  : i32 {
        %parallel_loop3A_126 = arith.constant 3 : i32
        %parallel_loop3A_127 = arith.shrui %parallel_loop3A_125, %parallel_loop3A_126 : i32
        %parallel_loop3A_128 = arith.constant 7 : i32
        %parallel_loop3A_129 = arith.andi %parallel_loop3A_125, %parallel_loop3A_128 : i32
        %parallel_loop3A_130 = arith.constant 128 : i32
        %parallel_loop3A_131 = arith.muli %parallel_loop3A_127, %parallel_loop3A_130 : i32
        %parallel_loop3A_132 = arith.constant 12288 : i32
        %parallel_loop3A_133 = arith.addi %parallel_loop3A_132, %parallel_loop3A_131 : i32
        %parallel_loop3A_134 = arith.constant 16 : i32
        %parallel_loop3A_135 = arith.muli %parallel_loop3A_129, %parallel_loop3A_134 : i32
        %parallel_loop3A_136 = arith.addi %parallel_loop3A_133, %parallel_loop3A_135 : i32
        %parallel_loop3A_137 = arith.index_cast %parallel_loop3A_136 : i32 to index
        %parallel_loop3A_138 = tpu.vector_load %arg6[%parallel_loop3A_137] {strides = array<i32>} : memref<16384xi32, #tpu.memory_space<vmem>>, vector<16xi32>,
        %parallel_loop3A_139 = vector.broadcast %mul3A_38 : i32 to vector<16xi32>
        %parallel_loop3A_140 = arith.addi %parallel_loop3A_138, %parallel_loop3A_139 : vector<16xi32>
        %parallel_loop3A_141 = arith.constant 0 : i32
        %parallel_loop3A_142 = vector.broadcast %parallel_loop3A_141 : i32 to vector<16xi32>
        %parallel_loop3A_143 = arith.addi %parallel_loop3A_140, %parallel_loop3A_142 : vector<16xi32>
        %parallel_loop3A_144 = tpu.vector_load_idx %arg9[%parallel_loop3A_143] : memref<256xf32, #tpu.memory_space<vmem>>[vector<16xi32>], vector<16xf32>,
        %parallel_loop3A_145 = arith.constant 16 : i32
        %parallel_loop3A_146 = arith.muli %parallel_loop3A_129, %parallel_loop3A_145 : i32
        %parallel_loop3A_147 = arith.constant 0 : i32
        %parallel_loop3A_148 = arith.index_cast %parallel_loop3A_127 : i32 to index
        %parallel_loop3A_149 = arith.index_cast %parallel_loop3A_147 : i32 to index
        %parallel_loop3A_150 = arith.index_cast %parallel_loop3A_146 : i32 to index
        %parallel_loop3A_151 = tpu.vector_load %arg8[%parallel_loop3A_148, %parallel_loop3A_149, %parallel_loop3A_150] {strides = array<i32>} : memref<32x8x128xf32, #tpu.memory_space<vmem>>, vector<16xf32>,
        tpu.vector_store %arg8[%parallel_loop3A_148, %parallel_loop3A_149, %parallel_loop3A_150], %parallel_loop3A_144 {strides = array<i32>} : memref<32x8x128xf32, #tpu.memory_space<vmem>>, vector<16xf32>,
        %parallel_loop3A_152 = arith.constant 5 : i32
        %parallel_loop3A_153 = vector.broadcast %parallel_loop3A_152 : i32 to vector<16xi32>
        %parallel_loop3A_154 = arith.addi %parallel_loop3A_140, %parallel_loop3A_153 : vector<16xi32>
        %parallel_loop3A_155 = tpu.vector_load_idx %arg9[%parallel_loop3A_154] : memref<256xf32, #tpu.memory_space<vmem>>[vector<16xi32>], vector<16xf32>,
        %parallel_loop3A_156 = arith.constant 16 : i32
        %parallel_loop3A_157 = arith.muli %parallel_loop3A_129, %parallel_loop3A_156 : i32
        %parallel_loop3A_158 = arith.constant 1 : i32
        %parallel_loop3A_159 = arith.index_cast %parallel_loop3A_127 : i32 to index
        %parallel_loop3A_160 = arith.index_cast %parallel_loop3A_158 : i32 to index
        %parallel_loop3A_161 = arith.index_cast %parallel_loop3A_157 : i32 to index
        %parallel_loop3A_162 = tpu.vector_load %arg8[%parallel_loop3A_159, %parallel_loop3A_160, %parallel_loop3A_161] {strides = array<i32>} : memref<32x8x128xf32, #tpu.memory_space<vmem>>, vector<16xf32>,
        tpu.vector_store %arg8[%parallel_loop3A_159, %parallel_loop3A_160, %parallel_loop3A_161], %parallel_loop3A_155 {strides = array<i32>} : memref<32x8x128xf32, #tpu.memory_space<vmem>>, vector<16xf32>,
        %parallel_loop3A_163 = arith.constant 10 : i32
        %parallel_loop3A_164 = vector.broadcast %parallel_loop3A_163 : i32 to vector<16xi32>
        %parallel_loop3A_165 = arith.addi %parallel_loop3A_140, %parallel_loop3A_164 : vector<16xi32>
        %parallel_loop3A_166 = tpu.vector_load_idx %arg9[%parallel_loop3A_165] : memref<256xf32, #tpu.memory_space<vmem>>[vector<16xi32>], vector<16xf32>,
        %parallel_loop3A_167 = arith.constant 16 : i32
        %parallel_loop3A_168 = arith.muli %parallel_loop3A_129, %parallel_loop3A_167 : i32
        %parallel_loop3A_169 = arith.constant 2 : i32
        %parallel_loop3A_170 = arith.index_cast %parallel_loop3A_127 : i32 to index
        %parallel_loop3A_171 = arith.index_cast %parallel_loop3A_169 : i32 to index
        %parallel_loop3A_172 = arith.index_cast %parallel_loop3A_168 : i32 to index
        %parallel_loop3A_173 = tpu.vector_load %arg8[%parallel_loop3A_170, %parallel_loop3A_171, %parallel_loop3A_172] {strides = array<i32>} : memref<32x8x128xf32, #tpu.memory_space<vmem>>, vector<16xf32>,
        tpu.vector_store %arg8[%parallel_loop3A_170, %parallel_loop3A_171, %parallel_loop3A_172], %parallel_loop3A_166 {strides = array<i32>} : memref<32x8x128xf32, #tpu.memory_space<vmem>>, vector<16xf32>,
        %parallel_loop3A_174 = arith.constant 15 : i32
        %parallel_loop3A_175 = vector.broadcast %parallel_loop3A_174 : i32 to vector<16xi32>
        %parallel_loop3A_176 = arith.addi %parallel_loop3A_140, %parallel_loop3A_175 : vector<16xi32>
        %parallel_loop3A_177 = tpu.vector_load_idx %arg9[%parallel_loop3A_176] : memref<256xf32, #tpu.memory_space<vmem>>[vector<16xi32>], vector<16xf32>,
        %parallel_loop3A_178 = arith.constant 16 : i32
        %parallel_loop3A_179 = arith.muli %parallel_loop3A_129, %parallel_loop3A_178 : i32
        %parallel_loop3A_180 = arith.constant 3 : i32
        %parallel_loop3A_181 = arith.index_cast %parallel_loop3A_127 : i32 to index
        %parallel_loop3A_182 = arith.index_cast %parallel_loop3A_180 : i32 to index
        %parallel_loop3A_183 = arith.index_cast %parallel_loop3A_179 : i32 to index
        %parallel_loop3A_184 = tpu.vector_load %arg8[%parallel_loop3A_181, %parallel_loop3A_182, %parallel_loop3A_183] {strides = array<i32>} : memref<32x8x128xf32, #tpu.memory_space<vmem>>, vector<16xf32>,
        tpu.vector_store %arg8[%parallel_loop3A_181, %parallel_loop3A_182, %parallel_loop3A_183], %parallel_loop3A_177 {strides = array<i32>} : memref<32x8x128xf32, #tpu.memory_space<vmem>>, vector<16xf32>,
        %parallel_loop3A_185 = arith.constant 20 : i32
        %parallel_loop3A_186 = vector.broadcast %parallel_loop3A_185 : i32 to vector<16xi32>
        %parallel_loop3A_187 = arith.addi %parallel_loop3A_140, %parallel_loop3A_186 : vector<16xi32>
        %parallel_loop3A_188 = tpu.vector_load_idx %arg9[%parallel_loop3A_187] : memref<256xf32, #tpu.memory_space<vmem>>[vector<16xi32>], vector<16xf32>,
        %parallel_loop3A_189 = arith.constant 16 : i32
        %parallel_loop3A_190 = arith.muli %parallel_loop3A_129, %parallel_loop3A_189 : i32
        %parallel_loop3A_191 = arith.constant 4 : i32
        %parallel_loop3A_192 = arith.index_cast %parallel_loop3A_127 : i32 to index
        %parallel_loop3A_193 = arith.index_cast %parallel_loop3A_191 : i32 to index
        %parallel_loop3A_194 = arith.index_cast %parallel_loop3A_190 : i32 to index
        %parallel_loop3A_195 = tpu.vector_load %arg8[%parallel_loop3A_192, %parallel_loop3A_193, %parallel_loop3A_194] {strides = array<i32>} : memref<32x8x128xf32, #tpu.memory_space<vmem>>, vector<16xf32>,
        tpu.vector_store %arg8[%parallel_loop3A_192, %parallel_loop3A_193, %parallel_loop3A_194], %parallel_loop3A_188 {strides = array<i32>} : memref<32x8x128xf32, #tpu.memory_space<vmem>>, vector<16xf32>,
        %parallel_loop3A_196 = arith.constant 25 : i32
        %parallel_loop3A_197 = vector.broadcast %parallel_loop3A_196 : i32 to vector<16xi32>
        %parallel_loop3A_198 = arith.addi %parallel_loop3A_140, %parallel_loop3A_197 : vector<16xi32>
        %parallel_loop3A_199 = tpu.vector_load_idx %arg9[%parallel_loop3A_198] : memref<256xf32, #tpu.memory_space<vmem>>[vector<16xi32>], vector<16xf32>,
        %parallel_loop3A_200 = arith.constant 16 : i32
        %parallel_loop3A_201 = arith.muli %parallel_loop3A_129, %parallel_loop3A_200 : i32
        %parallel_loop3A_202 = arith.constant 5 : i32
        %parallel_loop3A_203 = arith.index_cast %parallel_loop3A_127 : i32 to index
        %parallel_loop3A_204 = arith.index_cast %parallel_loop3A_202 : i32 to index
        %parallel_loop3A_205 = arith.index_cast %parallel_loop3A_201 : i32 to index
        %parallel_loop3A_206 = tpu.vector_load %arg8[%parallel_loop3A_203, %parallel_loop3A_204, %parallel_loop3A_205] {strides = array<i32>} : memref<32x8x128xf32, #tpu.memory_space<vmem>>, vector<16xf32>,
        tpu.vector_store %arg8[%parallel_loop3A_203, %parallel_loop3A_204, %parallel_loop3A_205], %parallel_loop3A_199 {strides = array<i32>} : memref<32x8x128xf32, #tpu.memory_space<vmem>>, vector<16xf32>,
        %parallel_loop3A_207 = arith.constant 30 : i32
        %parallel_loop3A_208 = vector.broadcast %parallel_loop3A_207 : i32 to vector<16xi32>
        %parallel_loop3A_209 = arith.addi %parallel_loop3A_140, %parallel_loop3A_208 : vector<16xi32>
        %parallel_loop3A_210 = tpu.vector_load_idx %arg9[%parallel_loop3A_209] : memref<256xf32, #tpu.memory_space<vmem>>[vector<16xi32>], vector<16xf32>,
        %parallel_loop3A_211 = arith.constant 16 : i32
        %parallel_loop3A_212 = arith.muli %parallel_loop3A_129, %parallel_loop3A_211 : i32
        %parallel_loop3A_213 = arith.constant 6 : i32
        %parallel_loop3A_214 = arith.index_cast %parallel_loop3A_127 : i32 to index
        %parallel_loop3A_215 = arith.index_cast %parallel_loop3A_213 : i32 to index
        %parallel_loop3A_216 = arith.index_cast %parallel_loop3A_212 : i32 to index
        %parallel_loop3A_217 = tpu.vector_load %arg8[%parallel_loop3A_214, %parallel_loop3A_215, %parallel_loop3A_216] {strides = array<i32>} : memref<32x8x128xf32, #tpu.memory_space<vmem>>, vector<16xf32>,
        tpu.vector_store %arg8[%parallel_loop3A_214, %parallel_loop3A_215, %parallel_loop3A_216], %parallel_loop3A_210 {strides = array<i32>} : memref<32x8x128xf32, #tpu.memory_space<vmem>>, vector<16xf32>,
        %parallel_loop3A_218 = arith.constant 35 : i32
        %parallel_loop3A_219 = vector.broadcast %parallel_loop3A_218 : i32 to vector<16xi32>
        %parallel_loop3A_220 = arith.addi %parallel_loop3A_140, %parallel_loop3A_219 : vector<16xi32>
        %parallel_loop3A_221 = tpu.vector_load_idx %arg9[%parallel_loop3A_220] : memref<256xf32, #tpu.memory_space<vmem>>[vector<16xi32>], vector<16xf32>,
        %parallel_loop3A_222 = arith.constant 16 : i32
        %parallel_loop3A_223 = arith.muli %parallel_loop3A_129, %parallel_loop3A_222 : i32
        %parallel_loop3A_224 = arith.constant 7 : i32
        %parallel_loop3A_225 = arith.index_cast %parallel_loop3A_127 : i32 to index
        %parallel_loop3A_226 = arith.index_cast %parallel_loop3A_224 : i32 to index
        %parallel_loop3A_227 = arith.index_cast %parallel_loop3A_223 : i32 to index
        %parallel_loop3A_228 = tpu.vector_load %arg8[%parallel_loop3A_225, %parallel_loop3A_226, %parallel_loop3A_227] {strides = array<i32>} : memref<32x8x128xf32, #tpu.memory_space<vmem>>, vector<16xf32>,
        tpu.vector_store %arg8[%parallel_loop3A_225, %parallel_loop3A_226, %parallel_loop3A_227], %parallel_loop3A_221 {strides = array<i32>} : memref<32x8x128xf32, #tpu.memory_space<vmem>>, vector<16xf32>,
      } {sc.loop_unroll_factor = 8 : i64, sc.parallel_access}
      %dma_start3A_115 = arith.constant 96 : i32
      %dma_start3A_116 = arith.constant 0 : i32
      %dma_start3A_117 = arith.constant 0 : i32
      %dma_start3A_118 = tpu.memref_slice %arg4[%shift_right_logical3A_35, %and3A_36, %dma_start3A_115, %dma_start3A_116, %dma_start3A_117] : memref<200x4x128x8x128xf32, #tpu.memory_space<hbm>> -> memref<1x1x32x8x128xf32, #tpu.memory_space<hbm>>
      %dma_start3A_119 = tpu.memref_squeeze %dma_start3A_118 : memref<1x1x32x8x128xf32, #tpu.memory_space<hbm>> -> memref<32x8x128xf32, #tpu.memory_space<hbm>>
      %dma_start3A_120 = arith.constant 96 : i32
      %dma_start3A_121 = arith.constant 0 : i32
      %dma_start3A_122 = arith.constant 0 : i32
      %dma_start3A_123 = tpu.memref_slice %arg4[%shift_right_logical3A_35, %and3A_36, %dma_start3A_120, %dma_start3A_121, %dma_start3A_122] : memref<200x4x128x8x128xf32, #tpu.memory_space<hbm>> -> memref<1x1x32x8x128xf32, #tpu.memory_space<hbm>>
      %dma_start3A_124 = tpu.memref_squeeze %dma_start3A_123 : memref<1x1x32x8x128xf32, #tpu.memory_space<hbm>> -> memref<32x8x128xf32, #tpu.memory_space<hbm>>
      tpu.enqueue_dma source(%arg8 : memref<32x8x128xf32, #tpu.memory_space<vmem>>) target(%dma_start3A_124 : memref<32x8x128xf32, #tpu.memory_space<hbm>>) target_semaphore(%arg11 : memref<!tpu.dma_semaphore, #tpu.memory_space<semaphore_mem>>)
      scf.yield %shift_right_logical3A_35 : i32
    }
    %scan3A_8 = arith.constant 25 : i32
    %dma_wait3A = arith.constant 0 : i32
    %dma_wait3A_9 = arith.constant 0 : i32
    %dma_wait3A_10 = arith.constant 0 : i32
    %dma_wait3A_11 = arith.constant 0 : i32
    %dma_wait3A_12 = arith.constant 0 : i32
    %dma_wait3A_13 = tpu.memref_slice %arg4[%dma_wait3A, %dma_wait3A_9, %dma_wait3A_10, %dma_wait3A_11, %dma_wait3A_12] : memref<200x4x128x8x128xf32, #tpu.memory_space<hbm>> -> memref<1x1x32x8x128xf32, #tpu.memory_space<hbm>>
    %dma_wait3A_14 = tpu.memref_squeeze %dma_wait3A_13 : memref<1x1x32x8x128xf32, #tpu.memory_space<hbm>> -> memref<32x8x128xf32, #tpu.memory_space<hbm>>
    %dma_wait3A_15 = arith.constant 0 : i32
    %dma_wait3A_16 = arith.constant 0 : i32
    %dma_wait3A_17 = arith.constant 0 : i32
    %dma_wait3A_18 = tpu.memref_slice %arg4[%dma_wait3A, %dma_wait3A_9, %dma_wait3A_15, %dma_wait3A_16, %dma_wait3A_17] : memref<200x4x128x8x128xf32, #tpu.memory_space<hbm>> -> memref<1x1x32x8x128xf32, #tpu.memory_space<hbm>>
    %dma_wait3A_19 = tpu.memref_squeeze %dma_wait3A_18 : memref<1x1x32x8x128xf32, #tpu.memory_space<hbm>> -> memref<32x8x128xf32, #tpu.memory_space<hbm>>
    tpu.wait_dma2 semaphore(%arg10 : memref<!tpu.dma_semaphore, #tpu.memory_space<semaphore_mem>>) src(%arg7 : memref<32x8x128xf32, #tpu.memory_space<vmem>>) dst(%dma_wait3A_19 : memref<32x8x128xf32, #tpu.memory_space<hbm>>)
    %dma_wait3A_20 = arith.constant 0 : i32
    %dma_wait3A_21 = arith.constant 0 : i32
    %dma_wait3A_22 = arith.constant 0 : i32
    %dma_wait3A_23 = arith.constant 0 : i32
    %dma_wait3A_24 = arith.constant 0 : i32
    %dma_wait3A_25 = tpu.memref_slice %arg4[%dma_wait3A_20, %dma_wait3A_21, %dma_wait3A_22, %dma_wait3A_23, %dma_wait3A_24] : memref<200x4x128x8x128xf32, #tpu.memory_space<hbm>> -> memref<1x1x32x8x128xf32, #tpu.memory_space<hbm>>
    %dma_wait3A_26 = tpu.memref_squeeze %dma_wait3A_25 : memref<1x1x32x8x128xf32, #tpu.memory_space<hbm>> -> memref<32x8x128xf32, #tpu.memory_space<hbm>>
    %dma_wait3A_27 = arith.constant 0 : i32
    %dma_wait3A_28 = arith.constant 0 : i32
    %dma_wait3A_29 = arith.constant 0 : i32
    %dma_wait3A_30 = tpu.memref_slice %arg4[%dma_wait3A_20, %dma_wait3A_21, %dma_wait3A_27, %dma_wait3A_28, %dma_wait3A_29] : memref<200x4x128x8x128xf32, #tpu.memory_space<hbm>> -> memref<1x1x32x8x128xf32, #tpu.memory_space<hbm>>
    %dma_wait3A_31 = tpu.memref_squeeze %dma_wait3A_30 : memref<1x1x32x8x128xf32, #tpu.memory_space<hbm>> -> memref<32x8x128xf32, #tpu.memory_space<hbm>>
    tpu.wait_dma2 semaphore(%arg11 : memref<!tpu.dma_semaphore, #tpu.memory_space<semaphore_mem>>) src(%arg8 : memref<32x8x128xf32, #tpu.memory_space<vmem>>) dst(%dma_wait3A_31 : memref<32x8x128xf32, #tpu.memory_space<hbm>>)
    return
  }
}

</mosaic_0001>

<sc_bundles>
// kernel: kernel.3.cloned.1.call-start
scs
__scs_entry_jumppad:
0x0: {  	(pc) =	sbr.rel $0x88, $3  }
0x1: {  	(tag) =	ssettag $0x0;
	lr =	simm.s32 $0x1  }
0x2: {  	[smem:$0x3F9F] =	sst lr;
	_ =	strace $0xD0000000  }
0x3: {  	_ = 	snop  }
0x4: {  	_ = 	snop  }
0x5: {  	_ = 	snop  }
0x6: {  	_ = 	snop  }
0x7: {  	_ = 	snop  }
__scs_overlays_trampoline_lowered:
0x8: {  	[smem:$0x3FAE] =	sst s0  }
0x9: {  	[smem:$0x3FAF] =	sst s1  }
0xa: {  	[smem:$0x3FB0] =	sst s2  }
0xb: {  	[smem:$0x3FB1] =	sst s3  }
0xc: {  	[smem:$0x3FB2] =	sst s4  }
0xd: {  	[smem:$0x3FB3] =	sst s5  }
0xe: {  	[smem:$0x3FB4] =	sst s6  }
0xf: {  	[smem:$0x3FB5] =	sst s7  }
0x10: {  	[smem:$0x3FB6] =	sst s8  }
0x11: {  	[smem:$0x3FB7] =	sst s9;
	s0 =	simm.s32 @!p0 $0x0  }
0x12: {  	s1 =	sld [smem:$0x3F9D];
	s0 =	simm.s32 @p0 $0x1  }
0x13: {  	[smem:$0x3FB8] =	sst s0;
	s0 =	simm.s32 @!p1 $0x0  }
0x14: {  	s2 =	sld [smem:$0x3F9C];
	s0 =	simm.s32 @p1 $0x1  }
0x15: {  	[smem:$0x3FB9] =	sst s0;
	s0 =	simm.s32 @!p2 $0x0  }
0x16: {  	s3 =	sld [smem:$0x3FDB];
	s0 =	simm.s32 @p2 $0x1  }
0x17: {  	s4 =	simm.s32 $0x1BF5;
	[smem:$0x3FBB] =	sst s0  }
0x18: {  	s0 =	sld [smem:$0x3F9E];
	_ =	swait.ge [sflag:s4], $0x0  }
0x19: {  	s7 =	sld [smem:$0x3F9F]  }
0x1a: {  	s8 =	sadd.s32 $0xFFFFE003, lr  }
0x1b: {  	s9 =	sadd.s32 $0xFFFFFEF7, lr;
	s5 =	simm.s32 $0xFFFFFFFF;
	p2 =	slt.u32 s8, $0xFFFFF086  }
0x1c: {  	p1 =	slt.u32 s9, $0xF7A;
	s5 =	simm.s32 @!p2 $0x0  }
0x1d: {  	s5 =	simm.s32 @p1 $0x1;
	p0 =	seq.s32 s7, s2  }
0x1e: {  	s7 =	smul.u32 @!p0 $0xF7A, s2;
	p2 =	seq.s32 @!p0 s5, $0x0  }
0x1f: {  	s9 =	smul.u32 $0xF7A, s1;
	s8 =	simm.s32 @!p0 $0x1BF5;
	p2 =	por !p2, p0  }
0x20: {  	[sflag:s8] =	ssyncset.s32 @!p0 $0xFFFFF086;
	s6 =	sadd.s32 @!p0 s3, s7;
	s7 =	simm.s32 @!p0 $0x108  }
0x21: {  	s3 =	sadd.s32 s3, s9;
	s6 =	sadd.s32 @!p0 $0x88, s6;
	s7 =	simm.s32 @p2 $0x1082  }
0x22: {  	[simem:s7], [sflag:s8] =	dma.local @!p0 [hbm:s6], $0xF7A  }
0x23: {  	s9 =	sor.u32 $0xD0000000, s2;
	s6 =	simm.s32 $0x108;
	_ =	swait.ge @!p0 [sflag:s8], $0x0  }
0x24: {  	s3 =	sadd.s32 $0x88, s3;
	s6 =	simm.s32 @!p1 $0x1082;
	[sflag:s4] =	ssyncset.s32 $0xFFFFF086  }
0x25: {  	[simem:s6], [sflag:s4] =	dma.local [hbm:s3], $0xF7A  }
0x26: {  	[smem:$0x3F9F] =	sst s1;
	(tag) =	ssettag s2;
	_ =	strace s9  }
0x27: {  	s1 =	sld [smem:$0x3FAF]  }
0x28: {  	s2 =	sld [smem:$0x3FB0]  }
0x29: {  	s4 =	sld [smem:$0x3FB2]  }
0x2a: {  	p0 =	seq.s32 s5, $0x0;
	s5 =	sld [smem:$0x3FB3]  }
0x2b: {  	s6 =	sld [smem:$0x3FB4]  }
0x2c: {  	s7 =	sld [smem:$0x3FB5]  }
0x2d: {  	s3 =	simm.s32 $0x108;
	s8 =	sld [smem:$0x3FB6]  }
0x2e: {  	s3 =	simm.s32 @!p0 $0x1082;
	s9 =	sld [smem:$0x3FB7]  }
0x2f: {  	lr =	sadd.s32 s0, s3;
	s0 =	sld [smem:$0x3FAE]  }
0x30: {  	s3 =	sld [smem:$0x3FB1]  }
0x31: {  	[smem:$0x3FBA] =	sst s10  }
0x32: {  	s10 =	sld [smem:$0x3FB8];
	_ =	sdelay $0x3  }
0x33: {  	p0 =	seq.s32 s10, $0x1;
	s10 =	sld [smem:$0x3FBA];
	_ =	sdelay $0x3  }
0x34: {  	[smem:$0x3FBA] =	sst s10  }
0x35: {  	s10 =	sld [smem:$0x3FB9];
	_ =	sdelay $0x3  }
0x36: {  	p1 =	seq.s32 s10, $0x1;
	s10 =	sld [smem:$0x3FBA];
	_ =	sdelay $0x3  }
0x37: {  	[smem:$0x3FBA] =	sst s10  }
0x38: {  	s10 =	sld [smem:$0x3FBB]  }
0x39: {  	_ = 	snop;
	(pc) =	sbr.ind lr, $3  }
0x3a: {  	_ = 	snop  }
0x3b: {  	_ = 	snop  }
0x3c: {  	p2 =	seq.s32 s10, $0x1;
	s10 =	sld [smem:$0x3FBA]  }
0x3d: {  	_ =	shalt  }
0x3e: {  	_ =	shalt  }
0x3f: {  	_ =	shalt  }
0x40: {  	_ =	shalt  }
0x41: {  	_ =	shalt  }
0x42: {  	_ =	shalt  }
0x43: {  	_ =	shalt  }
0x44: {  	_ =	shalt  }
0x45: {  	_ =	shalt  }
0x46: {  	_ =	shalt  }
0x47: {  	_ =	shalt  }
0x48: {  	_ =	shalt  }
0x49: {  	_ =	shalt  }
0x4a: {  	_ =	shalt  }
0x4b: {  	_ =	shalt  }
0x4c: {  	_ =	shalt  }
0x4d: {  	_ =	shalt  }
0x4e: {  	_ =	shalt  }
0x4f: {  	_ =	shalt  }
0x50: {  	_ =	shalt  }
0x51: {  	_ =	shalt  }
0x52: {  	_ =	shalt  }
0x53: {  	_ =	shalt  }
0x54: {  	_ =	shalt  }
0x55: {  	_ =	shalt  }
0x56: {  	_ =	shalt  }
0x57: {  	_ =	shalt  }
0x58: {  	_ =	shalt  }
0x59: {  	_ =	shalt  }
0x5a: {  	_ =	shalt  }
0x5b: {  	_ =	shalt  }
0x5c: {  	_ =	shalt  }
0x5d: {  	_ =	shalt  }
0x5e: {  	_ =	shalt  }
0x5f: {  	_ =	shalt  }
0x60: {  	_ =	shalt  }
0x61: {  	_ =	shalt  }
0x62: {  	_ =	shalt  }
0x63: {  	_ =	shalt  }
0x64: {  	_ =	shalt  }
0x65: {  	_ =	shalt  }
0x66: {  	_ =	shalt  }
0x67: {  	_ =	shalt  }
0x68: {  	_ =	shalt  }
0x69: {  	_ =	shalt  }
0x6a: {  	_ =	shalt  }
0x6b: {  	_ =	shalt  }
0x6c: {  	_ =	shalt  }
0x6d: {  	_ =	shalt  }
0x6e: {  	_ =	shalt  }
0x6f: {  	_ =	shalt  }
0x70: {  	_ =	shalt  }
0x71: {  	_ =	shalt  }
0x72: {  	_ =	shalt  }
0x73: {  	_ =	shalt  }
0x74: {  	_ =	shalt  }
0x75: {  	_ =	shalt  }
0x76: {  	_ =	shalt  }
0x77: {  	_ =	shalt  }
0x78: {  	_ =	shalt  }
0x79: {  	_ =	shalt  }
0x7a: {  	_ =	shalt  }
0x7b: {  	_ =	shalt  }
0x7c: {  	_ =	shalt  }
0x7d: {  	_ =	shalt  }
0x7e: {  	_ =	shalt  }
0x7f: {  	_ =	shalt  }
0x80: {  	_ =	shalt  }
0x81: {  	_ =	shalt  }
0x82: {  	_ =	shalt  }
0x83: {  	_ =	shalt  }
0x84: {  	_ =	shalt  }
0x85: {  	_ =	shalt  }
0x86: {  	_ =	shalt  }
0x87: {  	_ =	shalt  }
.Lfunc_end0:
.L_simem_size_0:
called_computation_lowered:
.L_overlay_start_0:
0x88: {  	s2 =	sld [smem:$0x3FD9]  }
0x89: {  	s3 =	sld [smem:$0x3FFE];
	_ =	sdelay $0x1  }
0x8a: {  	s1 =	srdreg.scid  }
0x8b: {  	s0 =	sand.u32 $0x1, s1  }
0x8c: {  	s17 =	sshll.u32 s0, $0xA;
	s2 =	sadd.s32 s3, s2  }
0x8d: {  	s2 =	sadd.s32 s2, s17  }
0x8e: {  	[smem:$0x3FC6] =	sst s2  }
0x8f: {  	_ = 	snop  }
0x90: {  	s2 =	sld [smem:$0x3FD0];
	(tm) =	ssettm $0x1  }
0x91: {  	s18 =	sld [smem:$0x3FFB];
	_ =	sdelay $0x3  }
0x92: {  	_ =	strace s18  }
0x93: {  	s3 =	sld [smem:$0x3FFC];
	_ =	sdelay $0x3  }
0x94: {  	_ =	strace s3  }
0x95: {  	s3 =	sld [smem:$0x3FFD];
	_ =	sdelay $0x3  }
0x96: {  	_ =	strace s3  }
0x97: {  	_ =	strace $0x8FFFFFFF  }
0x98: {  	s19 =	sld [smem:$0x3FDB];
	_ =	sdelay $0x1  }
0x99: {  	s4 =	simm.s32 $_scs_section_size  }
0x9a: {  	s5 =	simm.s32 $_size__tile_overlayer_lowered;
	s6 =	simm.s32 $_tile_overlayer_lowered  }
0x9b: {  	s22 =	simm.s32 $0x1BFF;
	s21 =	sshll.u32 s6, $0x1;
	s3 =	sadd.s32 s4, s19  }
0x9c: {  	s7 =	simm.s32 $0x0;
	s20 =	sshll.u32 s5, $0x1;
	s5 =	sadd.s32 s21, s3  }
0x9d: {  	[timem:s7], [sflag:s22] =	dma.local [hbm:s5], s20  }
0x9e: {  	_ =	swait.ge [sflag:s22], s20  }
0x9f: {  	s4 =	ssub.s32 $0x0, s20;
	[sflag:s22] =	ssyncset.done $0x0  }
0xa0: {  	[sflag:s22] =	ssyncadd.s32 s4;
	_ =	sdelay $0x1  }
0xa1: {  	s23 =	simm.s32 $0x1B8B  }
0xa2: {  	_ =	swait.ge [sflag:s23], $0x1  }
0xa3: {  	[sflag:s23] =	ssyncset.done $0x0  }
0xa4: {  	s25 =	simm.s32 $0x1B8E;
	s24 =	sld [smem:$0x3FFE];
	[sflag:s23] =	ssyncadd.s32 $0xFFFFFFFF  }
0xa5: {  	s26 =	simm.s32 $execute0_lowered;
	[smem:$0x3FD2] =	sst s25  }
0xa6: {  	s5 =	sshll.u32 s26, $0x1;
	_ =	strace $0x80000046;
	[dreg:$0x1] =	wrdreg $0xFFFFFFFF  }
0xa7: {  	s28 =	simm.s32 $_size_execute0_lowered;
	s3 =	sadd.s32 s3, s5;
	[dreg:$0x0] =	wrdreg $0x0  }
0xa8: {  	s5 =	sshll.u32 s28, $0x1;
	[dreg:$0x2] =	wrdreg s3  }
0xa9: {  	[dreg:$0x3] =	wrdreg s5  }
0xaa: {  	[dreg:$0x4] =	wrdreg $0xC0  }
0xab: {  	_ =	task [dreg:s7], $0x5FFFF  }
0xac: {  	[dreg:$0x1] =	wrdreg $0xFFFFFFFF  }
0xad: {  	[dreg:$0x0] =	wrdreg $0x60  }
0xae: {  	[dreg:$0x2] =	wrdreg s24  }
0xaf: {  	[dreg:$0x3] =	wrdreg s2  }
0xb0: {  	[dreg:$0x4] =	wrdreg $0x9  }
0xb1: {  	_ =	task.clear_ibuf [dreg:s7], $0x5FFFF;
	_ =	strace $0x90000046  }
0xb2: {  	s29 =	simm.s32 $0x9;
	_ =	strace $0x80000048  }
0xb3: {  	_ =	swait.ge [sflag:s29], $0x1  }
0xb4: {  	[sflag:s29] =	ssyncadd.s32 $0xFFFFFFFF  }
0xb5: {  	_ =	strace $0x90000048  }
0xb6: {  	_ =	sfence  }
0xb7: {  	s30 =	sld [smem:$0x0];
	_ =	sdelay $0x2  }
0xb8: {  	s31 =	sshll.u32 s1, $0xD;
	s1 =	sshrl.u32 s1, $0x2  }
0xb9: {  	s3 =	sand.u32 $0x4000, s31;
	s1 =	sadd.s32 s1, s30  }
0xba: {  	s0 =	sor.u32 s3, s0;
	s1 =	sshll.u32 s1, $0x11  }
0xbb: {  	s0 =	sor.u32 s1, s0  }
0xbc: {  	s0 =	sadd.s32 $0x8F2B, s0  }
0xbd: {  	[sflag:s0] =	ssyncadd.remote.s32 $0x1  }
0xbe: {  	_ =	sfence.sel $0xFFFF  }
0xbf: {  	[dreg:$0x0] =	wrdreg $0xFFFFFFFF;
	(pc) =	sbr.abs _section_cstart, $3  }
0xc0: {  	[dreg:$0x1] =	wrdreg $0xFFFFFFFF  }
0xc1: {  	_ =	task.clear_ibuf [dreg:s7], $0x2FFFF;
	_ =	strace $0x9FFFFFFF  }
0xc2: {  	(tm) =	ssettm $0x7FFFFFFF  }
0xc3: {  	_ =	shalt  }
tec
execute0_lowered:
.L_overlay_start_1:
0x0: {  	(tag) =	ssettag $0x1  }
0x1: {  	s5 =	rddreg [dreg:$0x0]  }
0x2: {  	s1 =	rddreg [dreg:$0x1]  }
0x3: {  	s0 =	rddreg [dreg:$0x2];
	s2 =	simm.s32 $0x0  }
0x4: {  	s3 =	srdreg.scid;
	s11 =	simm.s32 $0x18000;
	s12 =	simm.s32 $0x3  }
0x5: {  	s13 =	simm.s32 $0x8000;
	s14 =	simm.s32 $0x10000;
	s15 =	simm.s32 $0x1  }
0x6: {  	s16 =	simm.s32 $0x2;
	s17 =	simm.s32 $0x0;
	[smem:$0x7FF] =	sst s2  }
0x7: {  	s6 =	sand.u32 $0x1, s3;
	s3 =	stileid.u32;
	s4 =	sadd.s32 $0x400, s5  }
0x8: {  	s5 =	sadd.s32 $0x64400, s5;
	s7 =	ssub.s32 $0x2, s6;
	s9 =	sshll.u32 s3, $0x1  }
0x9: {  	_ =	strace $0x80000047;
	s8 =	sshrl.u32 s7, $0x1;
	s6 =	sor.u32 s6, s9  }
0xa: {  	s9 =	sadd.s32 $0x3000, s1;
	s10 =	ssub.s32 s7, s8;
	s6 =	smul.u32 $0x19, s6  }
0xb: {  	v0 =	vimm.s32 $0x0;
	s7 =	sadd.s32 $0x1000, s1;
	s8 =	sadd.s32 $0x2000, s1;
	s10 =	smax.u32 s10, $0x1  }
.LBB2_1:
0xc: {  	[tilespmem:s11], [sflag:$0x3] =	stream.linear.gather [hbm4b:s5+s2], $0x100, $0x38;
	[tilespmem:$0x18100] =	vst v63  }
0xd: {  	_ =	swait.ge [sflag:s12], $0x100  }
0xe: {  	[sflag:s12] =	ssyncset.done $0x0  }
0xf: {  	s19 =	simm.s32 $0xFFFFFFFF;
	s18 =	simm.s32 $0x0;
	[sflag:s12] =	ssyncadd.s32 $0xFFFFFF00  }
.LBB2_2:
0x10: {  	s20 =	sadd.s32 s6, s18  }
0x11: {  	s21 =	smov.u32 s19;
	s19 =	sshrl.u32 s20, $0x2  }
0x12: {  	p0 =	seq.s32 s19, s21  }
.Ltmp0:
0x13: {  	_ = 	snop;
	(pc) =	sbr.rel @p0 .LBB2_6-.Ltmp0, $1  }
0x14: {  	_ =	sdelay $0x3  }
0x15: {  	s21 =	sshll.u32 s19, $0xB  }
0x16: {  	s21 =	sand.u32 $0x1FFFF800, s21  }
0x17: {  	s21 =	sadd.s32 s4, s21  }
0x18: {  	[tilespmem:s2], [sflag:$0x3] =	stream.linear.gather [hbm4b:s21+s2], $0x4000, $0x38;
	[tilespmem:$0x18100] =	vst v63  }
0x19: {  	_ =	swait.ge [sflag:s12], $0x4000  }
0x1a: {  	[sflag:s12] =	ssyncset.done $0x0  }
0x1b: {  	s31 =	simm.s32 $0x20;
	[sflag:s12] =	ssyncadd.s32 $0xFFFFC000  }
0x1c: {  	v1 =	vld [tilespmem:s31+$0x10];
	_ =	sdelay $0x1  }
0x1d: {  	v2 =	vld [tilespmem:s31+$0xFFFFFFF0]  }
0x1e: {  	v8 =	vld [tilespmem:s31+$0x0];
	_ =	sdelay $0x1  }
0x1f: {  	v3 =	vadd.f32 $-1.800000000e+02, v1  }
0x20: {  	v5 =	vand.u32 $0x7FFFFFFF, v1;
	v6 =	vadd.f32 $-1.200000000e+02, v1;
	v7 =	vadd.f32 $-9.000000000e+01, v1  }
0x21: {  	v1 =	vadd.f32 $-1.095000000e+02, v1;
	v9 =	vand.u32 $0x7FFFFFFF, v2;
	v11 =	vadd.f32 $-1.200000000e+02, v2  }
0x22: {  	v4 =	vld [tilespmem:s31+$0xFFFFFFE0];
	v12 =	vand.u32 $0x7FFFFFFF, v8;
	v63 =	vadd.f32 $-1.095000000e+02, v8;
	vm0 =	vle.f32 v5, $5.000000000e+00  }
0x23: {  	vm1 =	vle.f32 v9, $5.000000000e+00;
	vm2 =	vle.f32 v12, $5.000000000e+00;
	v9 =	vadd.f32 $-1.095000000e+02, v2  }
0x24: {  	v3 =	vand.u32 $0x7FFFFFFF, v3;
	v5 =	vsel vm0, $0x4, v0;
	v1 =	vand.u32 $0x7FFFFFFF, v1  }
0x25: {  	v11 =	vand.u32 $0x7FFFFFFF, v11;
	v13 =	vsel vm2, $0x4, v0;
	vm8 =	vle.f32 v3, $5.000000000e+00  }
0x26: {  	v3 =	vand.u32 $0x7FFFFFFF, v6;
	vm10 =	vle.f32 v1, $5.000000000e+00;
	v1 =	vand.u32 $0x7FFFFFFF, v7  }
0x27: {  	v6 =	vadd.f32 $-1.800000000e+02, v8;
	v7 =	vadd.f32 $-1.200000000e+02, v4;
	vm14 =	vle.f32 v11, $5.000000000e+00  }
0x28: {  	v5 =	vsel vm8, $0x3, v5;
	vm9 =	vle.f32 v3, $5.000000000e+00;
	vm11 =	vle.f32 v1, $5.000000000e+00  }
0x29: {  	v1 =	vadd.f32 $-1.800000000e+02, v2;
	v2 =	vadd.f32 $-9.000000000e+01, v2;
	v3 =	vsel vm9, $0x2, v5  }
0x2a: {  	v5 =	vadd.f32 $-1.800000000e+02, v4;
	v6 =	vand.u32 $0x7FFFFFFF, v6;
	v3 =	vsel vm10, $0x1, v3  }
0x2b: {  	v1 =	vand.u32 $0x7FFFFFFF, v1;
	vm5 =	vle.f32 v6, $5.000000000e+00;
	v10 =	vsel vm11, $0x0, v3  }
0x2c: {  	v3 =	vand.u32 $0x7FFFFFFF, v4;
	v5 =	vand.u32 $0x7FFFFFFF, v5;
	vm4 =	vle.f32 v1, $5.000000000e+00  }
0x2d: {  	v13 =	vsel vm5, $0x3, v13;
	vm12 =	vle.f32 v3, $5.000000000e+00;
	v3 =	vadd.f32 $-1.200000000e+02, v8  }
0x2e: {  	vm3 =	vle.f32 v5, $5.000000000e+00;
	v5 =	vadd.f32 $-1.095000000e+02, v4;
	v1 =	vsel vm12, $0x4, v0  }
0x2f: {  	v6 =	vsel vm3, $0x3, v1;
	v1 =	vand.u32 $0x7FFFFFFF, v7;
	v7 =	vsel vm1, $0x4, v0  }
0x30: {  	v14 =	vand.u32 $0x7FFFFFFF, v3;
	v3 =	vadd.f32 $-9.000000000e+01, v8;
	v8 =	vand.u32 $0x7FFFFFFF, v9  }
0x31: {  	v9 =	vand.u32 $0x7FFFFFFF, v63;
	vm13 =	vle.f32 v1, $5.000000000e+00;
	v1 =	vadd.f32 $-9.000000000e+01, v4  }
0x32: {  	s21 =	simm.s32 $0x4020;
	v4 =	vsel vm4, $0x3, v7;
	vm15 =	vle.f32 v14, $5.000000000e+00;
	v7 =	vand.u32 $0x7FFFFFFF, v5  }
0x33: {  	s22 =	simm.s32 $0x0;
	s23 =	simm.s32 $0x60;
	[tilespmem:s21+$0x10] =	vst v10;
	v6 =	vsel vm13, $0x2, v6;
	v5 =	vsel vm14, $0x2, v4;
	v4 =	vsel vm15, $0x2, v13  }
.LBB2_4:
0x34: {  	v10 =	vld [tilespmem:s23+$0x10];
	s22 =	sadd.s32 $0x4, s22;
	vm0 =	vle.f32 v7, $5.000000000e+00;
	vm1 =	vle.f32 v8, $5.000000000e+00;
	vm2 =	vle.f32 v9, $5.000000000e+00  }
0x35: {  	v1 =	vand.u32 $0x7FFFFFFF, v1;
	v2 =	vand.u32 $0x7FFFFFFF, v2;
	v3 =	vand.u32 $0x7FFFFFFF, v3;
	v7 =	vld [tilespmem:s23+$0xFFFFFFF0];
	p0 =	slt.u32 s22, $0x3FC  }
0x36: {  	v6 =	vsel vm0, $0x1, v6;
	v5 =	vsel vm1, $0x1, v5;
	v4 =	vsel vm2, $0x1, v4;
	v8 =	vld [tilespmem:s23+$0x0]  }
0x37: {  	vm0 =	vle.f32 v1, $5.000000000e+00;
	vm1 =	vle.f32 v2, $5.000000000e+00;
	vm2 =	vle.f32 v3, $5.000000000e+00;
	v9 =	vld [tilespmem:s23+$0xFFFFFFE0]  }
0x38: {  	v1 =	vsel vm0, $0x0, v6;
	v2 =	vsel vm1, $0x0, v5;
	v3 =	vsel vm2, $0x0, v4  }
0x39: {  	v4 =	vadd.f32 $-1.800000000e+02, v10;
	[tilespmem:s21+$0xFFFFFFE0] =	vst v1  }
0x3a: {  	v1 =	vand.u32 $0x7FFFFFFF, v10;
	v5 =	vadd.f32 $-1.200000000e+02, v10;
	v6 =	vadd.f32 $-9.000000000e+01, v10;
	[tilespmem:s21+$0xFFFFFFF0] =	vst v2  }
0x3b: {  	vm0 =	vle.f32 v1, $5.000000000e+00;
	v2 =	vadd.f32 $-1.095000000e+02, v10;
	v1 =	vand.u32 $0x7FFFFFFF, v4;
	[tilespmem:s21+$0x0] =	vst v3  }
0x3c: {  	v3 =	vsel vm0, $0x4, v0;
	vm0 =	vle.f32 v1, $5.000000000e+00;
	v1 =	vand.u32 $0x7FFFFFFF, v5  }
0x3d: {  	v3 =	vsel vm0, $0x3, v3;
	vm0 =	vle.f32 v1, $5.000000000e+00;
	v1 =	vand.u32 $0x7FFFFFFF, v2  }
0x3e: {  	v2 =	vsel vm0, $0x2, v3;
	vm0 =	vle.f32 v1, $5.000000000e+00;
	v1 =	vand.u32 $0x7FFFFFFF, v6  }
0x3f: {  	v3 =	vadd.f32 $-1.800000000e+02, v9;
	v2 =	vsel vm0, $0x1, v2;
	vm0 =	vle.f32 v1, $5.000000000e+00  }
0x40: {  	v4 =	vadd.f32 $-1.800000000e+02, v8;
	s21 =	sadd.s32 $0x40, s21;
	v1 =	vadd.f32 $-1.800000000e+02, v7;
	v2 =	vsel vm0, $0x0, v2  }
0x41: {  	v10 =	vand.u32 $0x7FFFFFFF, v7;
	v5 =	vand.u32 $0x7FFFFFFF, v9;
	v6 =	vadd.f32 $-1.200000000e+02, v9;
	[tilespmem:s21+$0x10] =	vst v2  }
0x42: {  	v11 =	vand.u32 $0x7FFFFFFF, v8;
	v12 =	vadd.f32 $-1.200000000e+02, v8;
	v2 =	vadd.f32 $-1.200000000e+02, v7  }
0x43: {  	v4 =	vand.u32 $0x7FFFFFFF, v4;
	v3 =	vand.u32 $0x7FFFFFFF, v3;
	v1 =	vand.u32 $0x7FFFFFFF, v1  }
0x44: {  	vm1 =	vle.f32 v10, $5.000000000e+00;
	vm2 =	vle.f32 v11, $5.000000000e+00;
	vm0 =	vle.f32 v5, $5.000000000e+00  }
0x45: {  	v10 =	vadd.f32 $-1.095000000e+02, v7;
	v5 =	vadd.f32 $-1.095000000e+02, v9;
	vm3 =	vle.f32 v3, $5.000000000e+00  }
0x46: {  	vm5 =	vle.f32 v4, $5.000000000e+00;
	v4 =	vadd.f32 $-1.095000000e+02, v8;
	vm4 =	vle.f32 v1, $5.000000000e+00  }
0x47: {  	v6 =	vand.u32 $0x7FFFFFFF, v6;
	v3 =	vsel vm1, $0x4, v0;
	v1 =	vsel vm0, $0x4, v0  }
0x48: {  	v13 =	vsel vm2, $0x4, v0;
	v12 =	vand.u32 $0x7FFFFFFF, v12;
	v11 =	vand.u32 $0x7FFFFFFF, v2  }
.Ltmp1:
0x49: {  	v14 =	vsel vm3, $0x3, v1;
	v1 =	vadd.f32 $-9.000000000e+01, v9;
	v2 =	vadd.f32 $-9.000000000e+01, v7;
	(pc) =	sbr.rel @p0 .LBB2_4-.Ltmp1, $4  }
0x4a: {  	v13 =	vsel vm5, $0x3, v13;
	v15 =	vsel vm4, $0x3, v3;
	v3 =	vadd.f32 $-9.000000000e+01, v8  }
0x4b: {  	vm2 =	vle.f32 v12, $5.000000000e+00;
	vm0 =	vle.f32 v6, $5.000000000e+00;
	vm1 =	vle.f32 v11, $5.000000000e+00  }
0x4c: {  	v7 =	vand.u32 $0x7FFFFFFF, v5;
	v8 =	vand.u32 $0x7FFFFFFF, v10;
	v9 =	vand.u32 $0x7FFFFFFF, v4  }
0x4d: {  	s23 =	sadd.s32 $0x40, s23;
	v4 =	vsel vm2, $0x2, v13;
	v6 =	vsel vm0, $0x2, v14;
	v5 =	vsel vm1, $0x2, v15  }
0x4e: {  	vm0 =	vle.f32 v7, $5.000000000e+00;
	vm1 =	vle.f32 v8, $5.000000000e+00  }
0x4f: {  	vm2 =	vle.f32 v9, $5.000000000e+00;
	v1 =	vand.u32 $0x7FFFFFFF, v1;
	v2 =	vand.u32 $0x7FFFFFFF, v2  }
0x50: {  	v3 =	vand.u32 $0x7FFFFFFF, v3;
	v6 =	vsel vm0, $0x1, v6;
	vm13 =	vle.f32 v1, $5.000000000e+00  }
0x51: {  	v1 =	vsel vm1, $0x1, v5;
	vm14 =	vle.f32 v2, $5.000000000e+00;
	v2 =	vsel vm13, $0x0, v6  }
0x52: {  	v4 =	vsel vm2, $0x1, v4;
	vm15 =	vle.f32 v3, $5.000000000e+00;
	v1 =	vsel vm14, $0x0, v1;
	[tilespmem:s21+$0xFFFFFFE0] =	vst v2  }
0x53: {  	v2 =	vsel vm15, $0x0, v4;
	[tilespmem:s21+$0xFFFFFFF0] =	vst v1  }
0x54: {  	[tilespmem:s21+$0x0] =	vst v2  }
.LBB2_6:
0x55: {  	p0 =	seq.s32 s18, $0x0  }
0x56: {  	s21 =	simm.s32 @!p0 $0x1  }
0x57: {  	_ =	swait.ge @!p0 [sflag:s21], $0x8000  }
0x58: {  	[sflag:s21] =	ssyncset.done @!p0 $0x0  }
0x59: {  	s31 =	simm.s32 $0x4040;
	[sflag:s21] =	ssyncadd.s32 @!p0 $0xFFFF8000  }
0x5a: {  	v2 =	vld [tilespmem:s31+$0x30]  }
0x5b: {  	s20 =	sand.u32 $0x3, s20;
	v3 =	vld [tilespmem:s31+$0xFFFFFFD0]  }
0x5c: {  	s22 =	smul.u32 $0x28, s20;
	v4 =	vld [tilespmem:s31+$0xFFFFFFE0]  }
0x5d: {  	v5 =	vld [tilespmem:s31+$0xFFFFFFF0]  }
0x5e: {  	v1 =	vmov s22;
	v8 =	vld [tilespmem:s31+$0x0]  }
0x5f: {  	v10 =	vld [tilespmem:s31+$0x10];
	v9 =	vadd.s32 v1, v2  }
0x60: {  	v11 =	vld [tilespmem:s31+$0xFFFFFFC0];
	v7 =	vadd.s32 v1, v3  }
0x61: {  	v3 =	vld [tilespmem:s31+$0x20];
	v6 =	vadd.s32 v1, v4  }
0x62: {  	v5 =	vadd.s32 v1, v5  }
0x63: {  	v4 =	vadd.s32 v1, v8  }
0x64: {  	v2 =	vadd.s32 v1, v10;
	v10 =	vld.idx.msk [tilespmem:v9+s11+$0x0], $0xffff  }
0x65: {  	v8 =	vadd.s32 v1, v11;
	v12 =	vld.idx.msk [tilespmem:v7+s11+$0x0], $0xffff  }
0x66: {  	v3 =	vadd.s32 v1, v3;
	v13 =	vld.idx.msk [tilespmem:v6+s11+$0x0], $0xffff  }
0x67: {  	v14 =	vadd.s32 $0x5, v9;
	v11 =	vld.idx.msk [tilespmem:v5+s11+$0x0], $0xffff  }
0x68: {  	v15 =	vadd.s32 $0x5, v7;
	v16 =	vld.idx.msk [tilespmem:v4+s11+$0x0], $0xffff  }
0x69: {  	s21 =	simm.s32 $0x8200;
	v17 =	vadd.s32 $0x5, v6;
	v18 =	vld.idx.msk [tilespmem:v2+s11+$0x0], $0xffff  }
0x6a: {  	v19 =	vadd.s32 $0x5, v5;
	v21 =	vld.idx.msk [tilespmem:v8+s11+$0x0], $0xffff;
	[tilespmem:s21+$0xFFFFFE70] =	vst v10  }
0x6b: {  	v56 =	vadd.s32 $0x5, v2;
	v20 =	vld.idx.msk [tilespmem:v3+s11+$0x0], $0xffff;
	[tilespmem:s21+$0xFFFFFE10] =	vst v12  }
0x6c: {  	v58 =	vadd.s32 $0x5, v8;
	[tilespmem:s21+$0xFFFFFE20] =	vst v13;
	v55 =	vld.idx.msk [tilespmem:v14+s11+$0x0], $0xffff  }
0x6d: {  	v10 =	vadd.s32 $0x5, v4;
	[tilespmem:s21+$0xFFFFFE30] =	vst v11;
	v57 =	vld.idx.msk [tilespmem:v15+s11+$0x0], $0xffff  }
0x6e: {  	v59 =	vadd.s32 $0x5, v3;
	[tilespmem:s21+$0xFFFFFE40] =	vst v16;
	v17 =	vld.idx.msk [tilespmem:v17+s11+$0x0], $0xffff  }
0x6f: {  	v11 =	vadd.s32 $0xA, v9;
	[tilespmem:s21+$0xFFFFFE50] =	vst v18;
	v19 =	vld.idx.msk [tilespmem:v19+s11+$0x0], $0xffff  }
0x70: {  	v60 =	vadd.s32 $0xA, v7;
	[tilespmem:s21+$0xFFFFFE00] =	vst v21;
	v14 =	vld.idx.msk [tilespmem:v56+s11+$0x0], $0xffff  }
0x71: {  	v61 =	vadd.s32 $0xA, v6;
	v15 =	vld.idx.msk [tilespmem:v58+s11+$0x0], $0xffff;
	[tilespmem:s21+$0xFFFFFE60] =	vst v20  }
0x72: {  	v62 =	vadd.s32 $0xA, v5;
	v10 =	vld.idx.msk [tilespmem:v10+s11+$0x0], $0xffff;
	[tilespmem:s21+$0xFFFFFEF0] =	vst v55  }
0x73: {  	v26 =	vadd.s32 $0xA, v8;
	[tilespmem:s21+$0xFFFFFE90] =	vst v57;
	v24 =	vld.idx.msk [tilespmem:v59+s11+$0x0], $0xffff  }
0x74: {  	v27 =	vadd.s32 $0xA, v2;
	[tilespmem:s21+$0xFFFFFEA0] =	vst v17;
	v11 =	vld.idx.msk [tilespmem:v11+s11+$0x0], $0xffff  }
0x75: {  	v63 =	vadd.s32 $0xA, v4;
	[tilespmem:s21+$0xFFFFFEB0] =	vst v19;
	v18 =	vld.idx.msk [tilespmem:v60+s11+$0x0], $0xffff  }
0x76: {  	v25 =	vadd.s32 $0xF, v9;
	[tilespmem:s21+$0xFFFFFED0] =	vst v14;
	v20 =	vld.idx.msk [tilespmem:v61+s11+$0x0], $0xffff  }
0x77: {  	v28 =	vadd.s32 $0xF, v7;
	[tilespmem:s21+$0xFFFFFE80] =	vst v15;
	v12 =	vld.idx.msk [tilespmem:v62+s11+$0x0], $0xffff  }
0x78: {  	v30 =	vadd.s32 $0xF, v5;
	v17 =	vld.idx.msk [tilespmem:v26+s11+$0x0], $0xffff;
	[tilespmem:s21+$0xFFFFFEC0] =	vst v10  }
0x79: {  	v33 =	vadd.s32 $0xF, v8;
	v31 =	vld.idx.msk [tilespmem:v27+s11+$0x0], $0xffff;
	[tilespmem:s21+$0xFFFFFEE0] =	vst v24  }
0x7a: {  	v35 =	vadd.s32 $0xF, v2;
	v21 =	vld.idx.msk [tilespmem:v63+s11+$0x0], $0xffff;
	[tilespmem:s21+$0xFFFFFF70] =	vst v11  }
0x7b: {  	v10 =	vadd.s32 $0xA, v3;
	[tilespmem:s21+$0xFFFFFF10] =	vst v18;
	v29 =	vld.idx.msk [tilespmem:v25+s11+$0x0], $0xffff  }
0x7c: {  	v11 =	vadd.s32 $0xF, v6;
	[tilespmem:s21+$0xFFFFFF30] =	vst v12;
	v14 =	vld.idx.msk [tilespmem:v28+s11+$0x0], $0xffff  }
0x7d: {  	v34 =	vadd.s32 $0xF, v4;
	[tilespmem:s21+$0xFFFFFF00] =	vst v17;
	v16 =	vld.idx.msk [tilespmem:v30+s11+$0x0], $0xffff  }
0x7e: {  	v32 =	vadd.s32 $0x14, v9;
	[tilespmem:s21+$0xFFFFFF50] =	vst v31;
	v19 =	vld.idx.msk [tilespmem:v33+s11+$0x0], $0xffff  }
0x7f: {  	v37 =	vadd.s32 $0x14, v7;
	[tilespmem:s21+$0xFFFFFF20] =	vst v20;
	v12 =	vld.idx.msk [tilespmem:v35+s11+$0x0], $0xffff  }
0x80: {  	v41 =	vadd.s32 $0x14, v8;
	v10 =	vld.idx.msk [tilespmem:v10+s11+$0x0], $0xffff;
	[tilespmem:s21+$0xFFFFFF40] =	vst v21  }
0x81: {  	v42 =	vadd.s32 $0x14, v5;
	v11 =	vld.idx.msk [tilespmem:v11+s11+$0x0], $0xffff;
	[tilespmem:s21+$0xFFFFFFF0] =	vst v29  }
0x82: {  	v44 =	vadd.s32 $0x14, v2;
	v40 =	vld.idx.msk [tilespmem:v34+s11+$0x0], $0xffff;
	[tilespmem:s21+$0xFFFFFF90] =	vst v14  }
0x83: {  	v36 =	vadd.s32 $0xF, v3;
	[tilespmem:s21+$0xFFFFFFB0] =	vst v16;
	v38 =	vld.idx.msk [tilespmem:v32+s11+$0x0], $0xffff  }
0x84: {  	v39 =	vadd.s32 $0x14, v6;
	[tilespmem:s21+$0xFFFFFF80] =	vst v19;
	v15 =	vld.idx.msk [tilespmem:v37+s11+$0x0], $0xffff  }
0x85: {  	v43 =	vadd.s32 $0x14, v4;
	[tilespmem:s21+$0xFFFFFFD0] =	vst v12;
	v20 =	vld.idx.msk [tilespmem:v41+s11+$0x0], $0xffff  }
0x86: {  	v47 =	vld.idx.msk [tilespmem:v42+s11+$0x0], $0xffff;
	[tilespmem:s21+$0xFFFFFF60] =	vst v10;
	v10 =	vadd.s32 $0x19, v9  }
0x87: {  	v49 =	vadd.s32 $0x19, v8;
	v50 =	vld.idx.msk [tilespmem:v44+s11+$0x0], $0xffff;
	[tilespmem:s21+$0xFFFFFFA0] =	vst v11  }
0x88: {  	v46 =	vadd.s32 $0x19, v7;
	v11 =	vld.idx.msk [tilespmem:v36+s11+$0x0], $0xffff;
	[tilespmem:s21+$0xFFFFFFC0] =	vst v40  }
0x89: {  	v51 =	vadd.s32 $0x19, v5;
	v18 =	vld.idx.msk [tilespmem:v39+s11+$0x0], $0xffff;
	[tilespmem:s21+$0x70] =	vst v38  }
0x8a: {  	v45 =	vadd.s32 $0x14, v3;
	v21 =	vld.idx.msk [tilespmem:v43+s11+$0x0], $0xffff;
	[tilespmem:s21+$0x10] =	vst v15  }
0x8b: {  	v52 =	vadd.s32 $0x19, v4;
	[tilespmem:s21+$0x0] =	vst v20;
	v10 =	vld.idx.msk [tilespmem:v10+s11+$0x0], $0xffff  }
0x8c: {  	v48 =	vadd.s32 $0x1E, v9;
	[tilespmem:s21+$0x30] =	vst v47;
	v14 =	vld.idx.msk [tilespmem:v49+s11+$0x0], $0xffff  }
0x8d: {  	v54 =	vadd.s32 $0x1E, v8;
	v19 =	vld.idx.msk [tilespmem:v46+s11+$0x0], $0xffff;
	[tilespmem:s21+$0xFFFFFFE0] =	vst v11  }
0x8e: {  	v16 =	vld.idx.msk [tilespmem:v51+s11+$0x0], $0xffff;
	v11 =	vadd.s32 $0x19, v6;
	[tilespmem:s21+$0x20] =	vst v18  }
0x8f: {  	v55 =	vadd.s32 $0x1E, v7;
	v17 =	vld.idx.msk [tilespmem:v45+s11+$0x0], $0xffff;
	[tilespmem:s21+$0x40] =	vst v21  }
0x90: {  	v57 =	vadd.s32 $0x1E, v5;
	v18 =	vld.idx.msk [tilespmem:v52+s11+$0x0], $0xffff;
	[tilespmem:s21+$0xF0] =	vst v10  }
0x91: {  	v10 =	vadd.s32 $0x19, v2;
	[tilespmem:s21+$0x80] =	vst v14;
	v12 =	vld.idx.msk [tilespmem:v48+s11+$0x0], $0xffff  }
0x92: {  	v53 =	vadd.s32 $0x19, v3;
	[tilespmem:s21+$0x50] =	vst v50;
	v13 =	vld.idx.msk [tilespmem:v54+s11+$0x0], $0xffff  }
0x93: {  	v58 =	vadd.s32 $0x1E, v4;
	[tilespmem:s21+$0x90] =	vst v19;
	v11 =	vld.idx.msk [tilespmem:v11+s11+$0x0], $0xffff  }
0x94: {  	v9 =	vadd.s32 $0x23, v9;
	[tilespmem:s21+$0xB0] =	vst v16;
	v15 =	vld.idx.msk [tilespmem:v55+s11+$0x0], $0xffff  }
0x95: {  	v56 =	vadd.s32 $0x1E, v6;
	v61 =	vld.idx.msk [tilespmem:v57+s11+$0x0], $0xffff;
	[tilespmem:s21+$0x60] =	vst v17  }
0x96: {  	v8 =	vadd.s32 $0x23, v8;
	[tilespmem:s21+$0xC0] =	vst v18;
	v10 =	vld.idx.msk [tilespmem:v10+s11+$0x0], $0xffff  }
0x97: {  	v59 =	vadd.s32 $0x1E, v2;
	v20 =	vld.idx.msk [tilespmem:v53+s11+$0x0], $0xffff;
	[tilespmem:s21+$0x170] =	vst v12  }
0x98: {  	v12 =	vld.idx.msk [tilespmem:v58+s11+$0x0], $0xffff;
	[tilespmem:s21+$0xA0] =	vst v11;
	v11 =	vadd.s32 $0x1E, v3  }
0x99: {  	v7 =	vadd.s32 $0x23, v7;
	[tilespmem:s21+$0x100] =	vst v13;
	v9 =	vld.idx.msk [tilespmem:v9+s11+$0x0], $0xffff  }
0x9a: {  	v63 =	vadd.s32 $0x23, v4;
	[tilespmem:s21+$0x110] =	vst v15;
	v60 =	vld.idx.msk [tilespmem:v56+s11+$0x0], $0xffff  }
0x9b: {  	v62 =	vadd.s32 $0x23, v5;
	v6 =	vadd.s32 $0x23, v6;
	v5 =	vld.idx.msk [tilespmem:v8+s11+$0x0], $0xffff;
	[tilespmem:s21+$0xD0] =	vst v10  }
0x9c: {  	[tilespmem:s21+$0xE0] =	vst v20;
	v14 =	vld.idx.msk [tilespmem:v59+s11+$0x0], $0xffff  }
0x9d: {  	[tilespmem:s21+$0x140] =	vst v12;
	v10 =	vld.idx.msk [tilespmem:v11+s11+$0x0], $0xffff  }
0x9e: {  	[tilespmem:s21+$0x1F0] =	vst v9;
	v9 =	vld.idx.msk [tilespmem:v7+s11+$0x0], $0xffff  }
0x9f: {  	v8 =	vld.idx.msk [tilespmem:v63+s11+$0x0], $0xffff;
	[tilespmem:s21+$0x120] =	vst v60  }
0xa0: {  	[tilespmem:s21+$0x130] =	vst v61;
	v7 =	vld.idx.msk [tilespmem:v6+s11+$0x0], $0xffff  }
0xa1: {  	s23 =	simm.s32 $0x40C0;
	s22 =	simm.s32 $0x0;
	v4 =	vadd.s32 $0x23, v2;
	v3 =	vadd.s32 $0x23, v3;
	v6 =	vld.idx.msk [tilespmem:v62+s11+$0x0], $0xffff;
	[tilespmem:s21+$0x150] =	vst v14  }
.LBB2_7:
0xa2: {  	v2 =	vld [tilespmem:s23+$0x30];
	s22 =	sadd.s32 $0x8, s22;
	[tilespmem:s21+$0x160] =	vst v10  }
0xa3: {  	v10 =	vld [tilespmem:s23+$0xFFFFFFD0];
	p1 =	slt.u32 s22, $0xF8;
	[tilespmem:s21+$0x180] =	vst v5  }
0xa4: {  	v5 =	vld [tilespmem:s23+$0xFFFFFFE0];
	[tilespmem:s21+$0x190] =	vst v9  }
0xa5: {  	v9 =	vld [tilespmem:s23+$0xFFFFFFF0];
	[tilespmem:s21+$0x1A0] =	vst v7  }
0xa6: {  	v7 =	vld [tilespmem:s23+$0x0];
	[tilespmem:s21+$0x1B0] =	vst v6  }
0xa7: {  	v6 =	vld [tilespmem:s23+$0x10];
	v2 =	vadd.s32 v1, v2;
	[tilespmem:s21+$0x1C0] =	vst v8  }
0xa8: {  	v8 =	vadd.s32 v1, v10;
	v10 =	vld [tilespmem:s23+$0x20]  }
0xa9: {  	v11 =	vld [tilespmem:s23+$0xFFFFFFC0];
	v12 =	vadd.s32 $0x5, v8;
	v19 =	vadd.s32 $0xA, v8;
	v20 =	vadd.s32 v1, v5  }
0xaa: {  	v5 =	vadd.s32 $0x5, v20;
	v21 =	vadd.s32 $0xA, v20;
	v22 =	vadd.s32 v1, v9;
	v4 =	vld.idx.msk [tilespmem:v4+s11+$0x0], $0xffff  }
0xab: {  	v9 =	vadd.s32 $0x5, v22;
	v23 =	vadd.s32 $0xA, v22;
	v24 =	vadd.s32 v1, v7;
	v3 =	vld.idx.msk [tilespmem:v3+s11+$0x0], $0xffff  }
0xac: {  	v7 =	vadd.s32 $0x5, v24;
	v25 =	vadd.s32 $0xA, v24;
	v26 =	vadd.s32 v1, v6;
	v6 =	vld.idx.msk [tilespmem:v2+s11+$0x0], $0xffff  }
0xad: {  	v13 =	vld.idx.msk [tilespmem:v8+s11+$0x0], $0xffff;
	v14 =	vadd.s32 $0x5, v26;
	v27 =	vadd.s32 $0xA, v26;
	v28 =	vadd.s32 v1, v10  }
0xae: {  	v15 =	vadd.s32 $0x5, v2;
	v10 =	vadd.s32 v1, v11;
	v11 =	vld.idx.msk [tilespmem:v20+s11+$0x0], $0xffff;
	v29 =	vadd.s32 $0x5, v28  }
0xaf: {  	v32 =	vadd.s32 $0xA, v28;
	v30 =	vadd.s32 $0x5, v10;
	v31 =	vadd.s32 $0xA, v10;
	v16 =	vld.idx.msk [tilespmem:v22+s11+$0x0], $0xffff  }
0xb0: {  	v34 =	vadd.s32 $0xF, v8;
	v35 =	vadd.s32 $0xF, v20;
	v33 =	vadd.s32 $0xF, v10;
	v18 =	vld.idx.msk [tilespmem:v24+s11+$0x0], $0xffff;
	[tilespmem:s21+$0x1D0] =	vst v4  }
0xb1: {  	v36 =	vadd.s32 $0xF, v22;
	v37 =	vadd.s32 $0xF, v24;
	v38 =	vadd.s32 $0xF, v26;
	v4 =	vld.idx.msk [tilespmem:v26+s11+$0x0], $0xffff;
	[tilespmem:s21+$0x1E0] =	vst v3;
	s21 =	sadd.s32 $0x400, s21  }
0xb2: {  	v40 =	vadd.s32 $0x14, v8;
	v41 =	vadd.s32 $0xF, v28;
	v39 =	vadd.s32 $0x14, v10;
	v3 =	vld.idx.msk [tilespmem:v28+s11+$0x0], $0xffff;
	[tilespmem:s21+$0xFFFFFE70] =	vst v6  }
0xb3: {  	v42 =	vadd.s32 $0x14, v20;
	v43 =	vadd.s32 $0x14, v22;
	v44 =	vadd.s32 $0x14, v24;
	[tilespmem:s21+$0xFFFFFE10] =	vst v13;
	v6 =	vld.idx.msk [tilespmem:v15+s11+$0x0], $0xffff  }
0xb4: {  	v46 =	vadd.s32 $0x14, v26;
	v47 =	vadd.s32 $0x14, v28;
	v17 =	vadd.s32 $0x19, v10;
	v45 =	vld.idx.msk [tilespmem:v10+s11+$0x0], $0xffff;
	[tilespmem:s21+$0xFFFFFE20] =	vst v11  }
0xb5: {  	v51 =	vadd.s32 $0xA, v2;
	v49 =	vadd.s32 $0x19, v8;
	v50 =	vadd.s32 $0x19, v20;
	v48 =	vld.idx.msk [tilespmem:v12+s11+$0x0], $0xffff;
	[tilespmem:s21+$0xFFFFFE30] =	vst v16  }
0xb6: {  	v53 =	vadd.s32 $0x19, v22;
	v54 =	vadd.s32 $0x19, v24;
	v52 =	vld.idx.msk [tilespmem:v5+s11+$0x0], $0xffff;
	[tilespmem:s21+$0xFFFFFE40] =	vst v18;
	v18 =	vadd.s32 $0x19, v26  }
0xb7: {  	v56 =	vadd.s32 $0x19, v28;
	v15 =	vadd.s32 $0x1E, v10;
	v12 =	vadd.s32 $0x1E, v8;
	v55 =	vld.idx.msk [tilespmem:v9+s11+$0x0], $0xffff;
	[tilespmem:s21+$0xFFFFFE50] =	vst v4  }
0xb8: {  	v13 =	vadd.s32 $0x1E, v22;
	v11 =	vadd.s32 $0x1E, v24;
	v16 =	vadd.s32 $0x1E, v20;
	v57 =	vld.idx.msk [tilespmem:v7+s11+$0x0], $0xffff;
	[tilespmem:s21+$0xFFFFFE60] =	vst v3  }
0xb9: {  	v5 =	vadd.s32 $0x23, v10;
	v10 =	vadd.s32 $0x1E, v28;
	v58 =	vld.idx.msk [tilespmem:v14+s11+$0x0], $0xffff;
	v14 =	vadd.s32 $0x1E, v26;
	[tilespmem:s21+$0xFFFFFEF0] =	vst v6  }
0xba: {  	v9 =	vadd.s32 $0x23, v8;
	v7 =	vadd.s32 $0x23, v20;
	v6 =	vadd.s32 $0x23, v22;
	[tilespmem:s21+$0xFFFFFE00] =	vst v45;
	v20 =	vld.idx.msk [tilespmem:v51+s11+$0x0], $0xffff  }
0xbb: {  	v8 =	vadd.s32 $0x23, v24;
	v4 =	vadd.s32 $0x23, v26;
	v3 =	vadd.s32 $0x23, v28;
	v22 =	vld.idx.msk [tilespmem:v30+s11+$0x0], $0xffff;
	[tilespmem:s21+$0xFFFFFE90] =	vst v48  }
0xbc: {  	v26 =	vadd.s32 $0xF, v2;
	[tilespmem:s21+$0xFFFFFEA0] =	vst v52;
	v24 =	vld.idx.msk [tilespmem:v29+s11+$0x0], $0xffff  }
0xbd: {  	v19 =	vld.idx.msk [tilespmem:v19+s11+$0x0], $0xffff;
	[tilespmem:s21+$0xFFFFFEB0] =	vst v55  }
0xbe: {  	v21 =	vld.idx.msk [tilespmem:v21+s11+$0x0], $0xffff;
	[tilespmem:s21+$0xFFFFFEC0] =	vst v57  }
0xbf: {  	v23 =	vld.idx.msk [tilespmem:v23+s11+$0x0], $0xffff;
	[tilespmem:s21+$0xFFFFFED0] =	vst v58  }
0xc0: {  	v25 =	vld.idx.msk [tilespmem:v25+s11+$0x0], $0xffff;
	[tilespmem:s21+$0xFFFFFF70] =	vst v20  }
0xc1: {  	[tilespmem:s21+$0xFFFFFE80] =	vst v22;
	v20 =	vld.idx.msk [tilespmem:v26+s11+$0x0], $0xffff  }
0xc2: {  	v22 =	vld.idx.msk [tilespmem:v31+s11+$0x0], $0xffff;
	[tilespmem:s21+$0xFFFFFEE0] =	vst v24  }
0xc3: {  	v24 =	vadd.s32 $0x14, v2;
	[tilespmem:s21+$0xFFFFFF10] =	vst v19;
	v19 =	vld.idx.msk [tilespmem:v27+s11+$0x0], $0xffff  }
0xc4: {  	[tilespmem:s21+$0xFFFFFF20] =	vst v21;
	v21 =	vld.idx.msk [tilespmem:v32+s11+$0x0], $0xffff  }
0xc5: {  	v26 =	vld.idx.msk [tilespmem:v34+s11+$0x0], $0xffff;
	[tilespmem:s21+$0xFFFFFF30] =	vst v23  }
0xc6: {  	v23 =	vld.idx.msk [tilespmem:v35+s11+$0x0], $0xffff;
	[tilespmem:s21+$0xFFFFFF40] =	vst v25  }
0xc7: {  	v25 =	vld.idx.msk [tilespmem:v36+s11+$0x0], $0xffff;
	[tilespmem:s21+$0xFFFFFFF0] =	vst v20  }
0xc8: {  	[tilespmem:s21+$0xFFFFFF00] =	vst v22;
	v20 =	vld.idx.msk [tilespmem:v24+s11+$0x0], $0xffff  }
0xc9: {  	v22 =	vld.idx.msk [tilespmem:v33+s11+$0x0], $0xffff;
	[tilespmem:s21+$0xFFFFFF50] =	vst v19  }
0xca: {  	v19 =	vld.idx.msk [tilespmem:v37+s11+$0x0], $0xffff;
	[tilespmem:s21+$0xFFFFFF60] =	vst v21;
	v21 =	vadd.s32 $0x19, v2  }
0xcb: {  	[tilespmem:s21+$0xFFFFFF90] =	vst v26;
	v24 =	vld.idx.msk [tilespmem:v38+s11+$0x0], $0xffff  }
0xcc: {  	[tilespmem:s21+$0xFFFFFFA0] =	vst v23;
	v23 =	vld.idx.msk [tilespmem:v41+s11+$0x0], $0xffff  }
0xcd: {  	v26 =	vld.idx.msk [tilespmem:v40+s11+$0x0], $0xffff;
	[tilespmem:s21+$0xFFFFFFB0] =	vst v25  }
0xce: {  	v25 =	vld.idx.msk [tilespmem:v42+s11+$0x0], $0xffff;
	[tilespmem:s21+$0x70] =	vst v20  }
0xcf: {  	[tilespmem:s21+$0xFFFFFF80] =	vst v22;
	v20 =	vld.idx.msk [tilespmem:v21+s11+$0x0], $0xffff  }
0xd0: {  	v21 =	vld.idx.msk [tilespmem:v39+s11+$0x0], $0xffff;
	[tilespmem:s21+$0xFFFFFFC0] =	vst v19  }
0xd1: {  	v22 =	vadd.s32 $0x1E, v2;
	v19 =	vld.idx.msk [tilespmem:v43+s11+$0x0], $0xffff;
	[tilespmem:s21+$0xFFFFFFD0] =	vst v24  }
0xd2: {  	v24 =	vld.idx.msk [tilespmem:v44+s11+$0x0], $0xffff;
	[tilespmem:s21+$0xFFFFFFE0] =	vst v23  }
0xd3: {  	[tilespmem:s21+$0x10] =	vst v26;
	v23 =	vld.idx.msk [tilespmem:v46+s11+$0x0], $0xffff  }
0xd4: {  	[tilespmem:s21+$0x20] =	vst v25;
	v25 =	vld.idx.msk [tilespmem:v47+s11+$0x0], $0xffff  }
0xd5: {  	v26 =	vld.idx.msk [tilespmem:v49+s11+$0x0], $0xffff;
	[tilespmem:s21+$0xF0] =	vst v20  }
0xd6: {  	[tilespmem:s21+$0x0] =	vst v21;
	v20 =	vld.idx.msk [tilespmem:v22+s11+$0x0], $0xffff  }
0xd7: {  	v17 =	vld.idx.msk [tilespmem:v17+s11+$0x0], $0xffff;
	[tilespmem:s21+$0x30] =	vst v19  }
0xd8: {  	v2 =	vadd.s32 $0x23, v2;
	v19 =	vld.idx.msk [tilespmem:v50+s11+$0x0], $0xffff;
	[tilespmem:s21+$0x40] =	vst v24  }
0xd9: {  	v21 =	vld.idx.msk [tilespmem:v53+s11+$0x0], $0xffff;
	[tilespmem:s21+$0x50] =	vst v23  }
0xda: {  	v22 =	vld.idx.msk [tilespmem:v54+s11+$0x0], $0xffff;
	[tilespmem:s21+$0x60] =	vst v25  }
0xdb: {  	[tilespmem:s21+$0x90] =	vst v26;
	v18 =	vld.idx.msk [tilespmem:v18+s11+$0x0], $0xffff  }
0xdc: {  	v23 =	vld.idx.msk [tilespmem:v56+s11+$0x0], $0xffff;
	[tilespmem:s21+$0x170] =	vst v20  }
0xdd: {  	[tilespmem:s21+$0x80] =	vst v17;
	v2 =	vld.idx.msk [tilespmem:v2+s11+$0x0], $0xffff  }
0xde: {  	v15 =	vld.idx.msk [tilespmem:v15+s11+$0x0], $0xffff;
	[tilespmem:s21+$0xA0] =	vst v19  }
0xdf: {  	v12 =	vld.idx.msk [tilespmem:v12+s11+$0x0], $0xffff;
	[tilespmem:s21+$0xB0] =	vst v21  }
0xe0: {  	v16 =	vld.idx.msk [tilespmem:v16+s11+$0x0], $0xffff;
	[tilespmem:s21+$0xC0] =	vst v22  }
0xe1: {  	v13 =	vld.idx.msk [tilespmem:v13+s11+$0x0], $0xffff;
	[tilespmem:s21+$0xD0] =	vst v18  }
0xe2: {  	v11 =	vld.idx.msk [tilespmem:v11+s11+$0x0], $0xffff;
	[tilespmem:s21+$0xE0] =	vst v23  }
0xe3: {  	v14 =	vld.idx.msk [tilespmem:v14+s11+$0x0], $0xffff;
	[tilespmem:s21+$0x1F0] =	vst v2  }
0xe4: {  	[tilespmem:s21+$0x100] =	vst v15;
	v10 =	vld.idx.msk [tilespmem:v10+s11+$0x0], $0xffff  }
.Ltmp2:
0xe5: {  	v5 =	vld.idx.msk [tilespmem:v5+s11+$0x0], $0xffff;
	[tilespmem:s21+$0x110] =	vst v12;
	(pc) =	sbr.rel @p1 .LBB2_7-.Ltmp2, $4  }
0xe6: {  	v9 =	vld.idx.msk [tilespmem:v9+s11+$0x0], $0xffff;
	[tilespmem:s21+$0x120] =	vst v16  }
0xe7: {  	v7 =	vld.idx.msk [tilespmem:v7+s11+$0x0], $0xffff;
	[tilespmem:s21+$0x130] =	vst v13  }
0xe8: {  	v6 =	vld.idx.msk [tilespmem:v6+s11+$0x0], $0xffff;
	[tilespmem:s21+$0x140] =	vst v11  }
0xe9: {  	s23 =	sadd.s32 $0x80, s23;
	v8 =	vld.idx.msk [tilespmem:v8+s11+$0x0], $0xffff;
	[tilespmem:s21+$0x150] =	vst v14  }
0xea: {  	_ =	sdelay $0x2  }
0xeb: {  	[tilespmem:s21+$0x160] =	vst v10  }
0xec: {  	[tilespmem:s21+$0x180] =	vst v5;
	v2 =	vld.idx.msk [tilespmem:v4+s11+$0x0], $0xffff  }
0xed: {  	[tilespmem:s21+$0x190] =	vst v9;
	v3 =	vld.idx.msk [tilespmem:v3+s11+$0x0], $0xffff  }
0xee: {  	[tilespmem:s21+$0x1A0] =	vst v7  }
0xef: {  	[tilespmem:s21+$0x1B0] =	vst v6  }
0xf0: {  	s22 =	sshll.u32 s19, $0x10;
	s20 =	sshll.u32 s20, $0xE;
	[tilespmem:s21+$0x1C0] =	vst v8  }
0xf1: {  	s20 =	sor.u32 s20, s22;
	[tilespmem:s21+$0x1D0] =	vst v2  }
0xf2: {  	s30 =	sadd.s32 s1, s20;
	[tilespmem:s21+$0x1E0] =	vst v3;
	s21 =	simm.s32 @!p0 $0x2  }
0xf3: {  	[hbm4b:s30+s2] =	stream.linear.scatter [tilespmem:s13], [sflag:$0x1], $0x8000, $0x38;
	[tilespmem:$0x18100] =	vst v63  }
0xf4: {  	_ =	swait.ge @!p0 [sflag:s21], $0x8000  }
0xf5: {  	[sflag:s21] =	ssyncset.done @!p0 $0x0  }
0xf6: {  	s31 =	simm.s32 $0x5070;
	[sflag:s21] =	ssyncadd.s32 @!p0 $0xFFFF8000  }
0xf7: {  	v2 =	vld [tilespmem:s31+$0x0]  }
0xf8: {  	v3 =	vld [tilespmem:s31+$0xFFFFFFA0]  }
0xf9: {  	v4 =	vld [tilespmem:s31+$0xFFFFFFB0]  }
0xfa: {  	v5 =	vld [tilespmem:s31+$0xFFFFFFC0]  }
0xfb: {  	v8 =	vld [tilespmem:s31+$0xFFFFFFD0]  }
0xfc: {  	v10 =	vld [tilespmem:s31+$0xFFFFFFE0];
	v9 =	vadd.s32 v1, v2  }
0xfd: {  	v11 =	vld [tilespmem:s31+$0xFFFFFF90];
	v7 =	vadd.s32 v1, v3  }
0xfe: {  	v3 =	vld [tilespmem:s31+$0xFFFFFFF0];
	v6 =	vadd.s32 v1, v4  }
0xff: {  	v5 =	vadd.s32 v1, v5  }
0x100: {  	v4 =	vadd.s32 v1, v8  }
0x101: {  	v2 =	vadd.s32 v1, v10;
	v10 =	vld.idx.msk [tilespmem:v9+s11+$0x0], $0xffff  }
0x102: {  	v8 =	vadd.s32 v1, v11;
	v12 =	vld.idx.msk [tilespmem:v7+s11+$0x0], $0xffff  }
0x103: {  	v3 =	vadd.s32 v1, v3;
	v13 =	vld.idx.msk [tilespmem:v6+s11+$0x0], $0xffff  }
0x104: {  	v14 =	vadd.s32 $0x5, v9;
	v11 =	vld.idx.msk [tilespmem:v5+s11+$0x0], $0xffff  }
0x105: {  	v15 =	vadd.s32 $0x5, v7;
	v16 =	vld.idx.msk [tilespmem:v4+s11+$0x0], $0xffff  }
0x106: {  	s21 =	simm.s32 $0x10200;
	v17 =	vadd.s32 $0x5, v6;
	v18 =	vld.idx.msk [tilespmem:v2+s11+$0x0], $0xffff  }
0x107: {  	v19 =	vadd.s32 $0x5, v5;
	v21 =	vld.idx.msk [tilespmem:v8+s11+$0x0], $0xffff;
	[tilespmem:s21+$0xFFFFFE70] =	vst v10  }
0x108: {  	v56 =	vadd.s32 $0x5, v2;
	v20 =	vld.idx.msk [tilespmem:v3+s11+$0x0], $0xffff;
	[tilespmem:s21+$0xFFFFFE10] =	vst v12  }
0x109: {  	v58 =	vadd.s32 $0x5, v8;
	[tilespmem:s21+$0xFFFFFE20] =	vst v13;
	v55 =	vld.idx.msk [tilespmem:v14+s11+$0x0], $0xffff  }
0x10a: {  	v10 =	vadd.s32 $0x5, v4;
	[tilespmem:s21+$0xFFFFFE30] =	vst v11;
	v57 =	vld.idx.msk [tilespmem:v15+s11+$0x0], $0xffff  }
0x10b: {  	v59 =	vadd.s32 $0x5, v3;
	[tilespmem:s21+$0xFFFFFE40] =	vst v16;
	v17 =	vld.idx.msk [tilespmem:v17+s11+$0x0], $0xffff  }
0x10c: {  	v11 =	vadd.s32 $0xA, v9;
	[tilespmem:s21+$0xFFFFFE50] =	vst v18;
	v19 =	vld.idx.msk [tilespmem:v19+s11+$0x0], $0xffff  }
0x10d: {  	v60 =	vadd.s32 $0xA, v7;
	[tilespmem:s21+$0xFFFFFE00] =	vst v21;
	v14 =	vld.idx.msk [tilespmem:v56+s11+$0x0], $0xffff  }
0x10e: {  	v61 =	vadd.s32 $0xA, v6;
	v15 =	vld.idx.msk [tilespmem:v58+s11+$0x0], $0xffff;
	[tilespmem:s21+$0xFFFFFE60] =	vst v20  }
0x10f: {  	v62 =	vadd.s32 $0xA, v5;
	v10 =	vld.idx.msk [tilespmem:v10+s11+$0x0], $0xffff;
	[tilespmem:s21+$0xFFFFFEF0] =	vst v55  }
0x110: {  	v26 =	vadd.s32 $0xA, v8;
	[tilespmem:s21+$0xFFFFFE90] =	vst v57;
	v24 =	vld.idx.msk [tilespmem:v59+s11+$0x0], $0xffff  }
0x111: {  	v27 =	vadd.s32 $0xA, v2;
	[tilespmem:s21+$0xFFFFFEA0] =	vst v17;
	v11 =	vld.idx.msk [tilespmem:v11+s11+$0x0], $0xffff  }
0x112: {  	v63 =	vadd.s32 $0xA, v4;
	[tilespmem:s21+$0xFFFFFEB0] =	vst v19;
	v18 =	vld.idx.msk [tilespmem:v60+s11+$0x0], $0xffff  }
0x113: {  	v25 =	vadd.s32 $0xF, v9;
	[tilespmem:s21+$0xFFFFFED0] =	vst v14;
	v20 =	vld.idx.msk [tilespmem:v61+s11+$0x0], $0xffff  }
0x114: {  	v28 =	vadd.s32 $0xF, v7;
	[tilespmem:s21+$0xFFFFFE80] =	vst v15;
	v12 =	vld.idx.msk [tilespmem:v62+s11+$0x0], $0xffff  }
0x115: {  	v30 =	vadd.s32 $0xF, v5;
	v17 =	vld.idx.msk [tilespmem:v26+s11+$0x0], $0xffff;
	[tilespmem:s21+$0xFFFFFEC0] =	vst v10  }
0x116: {  	v33 =	vadd.s32 $0xF, v8;
	v31 =	vld.idx.msk [tilespmem:v27+s11+$0x0], $0xffff;
	[tilespmem:s21+$0xFFFFFEE0] =	vst v24  }
0x117: {  	v35 =	vadd.s32 $0xF, v2;
	v21 =	vld.idx.msk [tilespmem:v63+s11+$0x0], $0xffff;
	[tilespmem:s21+$0xFFFFFF70] =	vst v11  }
0x118: {  	v10 =	vadd.s32 $0xA, v3;
	[tilespmem:s21+$0xFFFFFF10] =	vst v18;
	v29 =	vld.idx.msk [tilespmem:v25+s11+$0x0], $0xffff  }
0x119: {  	v11 =	vadd.s32 $0xF, v6;
	[tilespmem:s21+$0xFFFFFF30] =	vst v12;
	v14 =	vld.idx.msk [tilespmem:v28+s11+$0x0], $0xffff  }
0x11a: {  	v34 =	vadd.s32 $0xF, v4;
	[tilespmem:s21+$0xFFFFFF00] =	vst v17;
	v16 =	vld.idx.msk [tilespmem:v30+s11+$0x0], $0xffff  }
0x11b: {  	v32 =	vadd.s32 $0x14, v9;
	[tilespmem:s21+$0xFFFFFF50] =	vst v31;
	v19 =	vld.idx.msk [tilespmem:v33+s11+$0x0], $0xffff  }
0x11c: {  	v37 =	vadd.s32 $0x14, v7;
	[tilespmem:s21+$0xFFFFFF20] =	vst v20;
	v12 =	vld.idx.msk [tilespmem:v35+s11+$0x0], $0xffff  }
0x11d: {  	v41 =	vadd.s32 $0x14, v8;
	v10 =	vld.idx.msk [tilespmem:v10+s11+$0x0], $0xffff;
	[tilespmem:s21+$0xFFFFFF40] =	vst v21  }
0x11e: {  	v42 =	vadd.s32 $0x14, v5;
	v11 =	vld.idx.msk [tilespmem:v11+s11+$0x0], $0xffff;
	[tilespmem:s21+$0xFFFFFFF0] =	vst v29  }
0x11f: {  	v44 =	vadd.s32 $0x14, v2;
	v40 =	vld.idx.msk [tilespmem:v34+s11+$0x0], $0xffff;
	[tilespmem:s21+$0xFFFFFF90] =	vst v14  }
0x120: {  	v36 =	vadd.s32 $0xF, v3;
	[tilespmem:s21+$0xFFFFFFB0] =	vst v16;
	v38 =	vld.idx.msk [tilespmem:v32+s11+$0x0], $0xffff  }
0x121: {  	v39 =	vadd.s32 $0x14, v6;
	[tilespmem:s21+$0xFFFFFF80] =	vst v19;
	v15 =	vld.idx.msk [tilespmem:v37+s11+$0x0], $0xffff  }
0x122: {  	v43 =	vadd.s32 $0x14, v4;
	[tilespmem:s21+$0xFFFFFFD0] =	vst v12;
	v20 =	vld.idx.msk [tilespmem:v41+s11+$0x0], $0xffff  }
0x123: {  	v47 =	vld.idx.msk [tilespmem:v42+s11+$0x0], $0xffff;
	[tilespmem:s21+$0xFFFFFF60] =	vst v10;
	v10 =	vadd.s32 $0x19, v9  }
0x124: {  	v49 =	vadd.s32 $0x19, v8;
	v50 =	vld.idx.msk [tilespmem:v44+s11+$0x0], $0xffff;
	[tilespmem:s21+$0xFFFFFFA0] =	vst v11  }
0x125: {  	v46 =	vadd.s32 $0x19, v7;
	v11 =	vld.idx.msk [tilespmem:v36+s11+$0x0], $0xffff;
	[tilespmem:s21+$0xFFFFFFC0] =	vst v40  }
0x126: {  	v51 =	vadd.s32 $0x19, v5;
	v18 =	vld.idx.msk [tilespmem:v39+s11+$0x0], $0xffff;
	[tilespmem:s21+$0x70] =	vst v38  }
0x127: {  	v45 =	vadd.s32 $0x14, v3;
	v21 =	vld.idx.msk [tilespmem:v43+s11+$0x0], $0xffff;
	[tilespmem:s21+$0x10] =	vst v15  }
0x128: {  	v52 =	vadd.s32 $0x19, v4;
	[tilespmem:s21+$0x0] =	vst v20;
	v10 =	vld.idx.msk [tilespmem:v10+s11+$0x0], $0xffff  }
0x129: {  	v48 =	vadd.s32 $0x1E, v9;
	[tilespmem:s21+$0x30] =	vst v47;
	v14 =	vld.idx.msk [tilespmem:v49+s11+$0x0], $0xffff  }
0x12a: {  	v54 =	vadd.s32 $0x1E, v8;
	v19 =	vld.idx.msk [tilespmem:v46+s11+$0x0], $0xffff;
	[tilespmem:s21+$0xFFFFFFE0] =	vst v11  }
0x12b: {  	v16 =	vld.idx.msk [tilespmem:v51+s11+$0x0], $0xffff;
	v11 =	vadd.s32 $0x19, v6;
	[tilespmem:s21+$0x20] =	vst v18  }
0x12c: {  	v55 =	vadd.s32 $0x1E, v7;
	v17 =	vld.idx.msk [tilespmem:v45+s11+$0x0], $0xffff;
	[tilespmem:s21+$0x40] =	vst v21  }
0x12d: {  	v57 =	vadd.s32 $0x1E, v5;
	v18 =	vld.idx.msk [tilespmem:v52+s11+$0x0], $0xffff;
	[tilespmem:s21+$0xF0] =	vst v10  }
0x12e: {  	v10 =	vadd.s32 $0x19, v2;
	[tilespmem:s21+$0x80] =	vst v14;
	v12 =	vld.idx.msk [tilespmem:v48+s11+$0x0], $0xffff  }
0x12f: {  	v53 =	vadd.s32 $0x19, v3;
	[tilespmem:s21+$0x50] =	vst v50;
	v13 =	vld.idx.msk [tilespmem:v54+s11+$0x0], $0xffff  }
0x130: {  	v58 =	vadd.s32 $0x1E, v4;
	[tilespmem:s21+$0x90] =	vst v19;
	v11 =	vld.idx.msk [tilespmem:v11+s11+$0x0], $0xffff  }
0x131: {  	v9 =	vadd.s32 $0x23, v9;
	[tilespmem:s21+$0xB0] =	vst v16;
	v15 =	vld.idx.msk [tilespmem:v55+s11+$0x0], $0xffff  }
0x132: {  	v56 =	vadd.s32 $0x1E, v6;
	v61 =	vld.idx.msk [tilespmem:v57+s11+$0x0], $0xffff;
	[tilespmem:s21+$0x60] =	vst v17  }
0x133: {  	v8 =	vadd.s32 $0x23, v8;
	[tilespmem:s21+$0xC0] =	vst v18;
	v10 =	vld.idx.msk [tilespmem:v10+s11+$0x0], $0xffff  }
0x134: {  	v59 =	vadd.s32 $0x1E, v2;
	v20 =	vld.idx.msk [tilespmem:v53+s11+$0x0], $0xffff;
	[tilespmem:s21+$0x170] =	vst v12  }
0x135: {  	v12 =	vld.idx.msk [tilespmem:v58+s11+$0x0], $0xffff;
	[tilespmem:s21+$0xA0] =	vst v11;
	v11 =	vadd.s32 $0x1E, v3  }
0x136: {  	v7 =	vadd.s32 $0x23, v7;
	[tilespmem:s21+$0x100] =	vst v13;
	v9 =	vld.idx.msk [tilespmem:v9+s11+$0x0], $0xffff  }
0x137: {  	v63 =	vadd.s32 $0x23, v4;
	[tilespmem:s21+$0x110] =	vst v15;
	v60 =	vld.idx.msk [tilespmem:v56+s11+$0x0], $0xffff  }
0x138: {  	v62 =	vadd.s32 $0x23, v5;
	v6 =	vadd.s32 $0x23, v6;
	v5 =	vld.idx.msk [tilespmem:v8+s11+$0x0], $0xffff;
	[tilespmem:s21+$0xD0] =	vst v10  }
0x139: {  	[tilespmem:s21+$0xE0] =	vst v20;
	v14 =	vld.idx.msk [tilespmem:v59+s11+$0x0], $0xffff  }
0x13a: {  	[tilespmem:s21+$0x140] =	vst v12;
	v10 =	vld.idx.msk [tilespmem:v11+s11+$0x0], $0xffff  }
0x13b: {  	[tilespmem:s21+$0x1F0] =	vst v9;
	v9 =	vld.idx.msk [tilespmem:v7+s11+$0x0], $0xffff  }
0x13c: {  	v8 =	vld.idx.msk [tilespmem:v63+s11+$0x0], $0xffff;
	[tilespmem:s21+$0x120] =	vst v60  }
0x13d: {  	[tilespmem:s21+$0x130] =	vst v61;
	v7 =	vld.idx.msk [tilespmem:v6+s11+$0x0], $0xffff  }
0x13e: {  	s23 =	simm.s32 $0x50F0;
	s22 =	simm.s32 $0x0;
	v4 =	vadd.s32 $0x23, v2;
	v3 =	vadd.s32 $0x23, v3;
	v6 =	vld.idx.msk [tilespmem:v62+s11+$0x0], $0xffff;
	[tilespmem:s21+$0x150] =	vst v14  }
.LBB2_9:
0x13f: {  	v2 =	vld [tilespmem:s23+$0x0];
	s22 =	sadd.s32 $0x8, s22;
	[tilespmem:s21+$0x160] =	vst v10  }
0x140: {  	v10 =	vld [tilespmem:s23+$0xFFFFFFA0];
	p0 =	slt.u32 s22, $0xF8;
	[tilespmem:s21+$0x180] =	vst v5  }
0x141: {  	v5 =	vld [tilespmem:s23+$0xFFFFFFB0];
	[tilespmem:s21+$0x190] =	vst v9  }
0x142: {  	v9 =	vld [tilespmem:s23+$0xFFFFFFC0];
	[tilespmem:s21+$0x1A0] =	vst v7  }
0x143: {  	v7 =	vld [tilespmem:s23+$0xFFFFFFD0];
	[tilespmem:s21+$0x1B0] =	vst v6  }
0x144: {  	v6 =	vld [tilespmem:s23+$0xFFFFFFE0];
	v2 =	vadd.s32 v1, v2;
	[tilespmem:s21+$0x1C0] =	vst v8  }
0x145: {  	v8 =	vadd.s32 v1, v10;
	v10 =	vld [tilespmem:s23+$0xFFFFFFF0]  }
0x146: {  	v11 =	vld [tilespmem:s23+$0xFFFFFF90];
	v12 =	vadd.s32 $0x5, v8;
	v19 =	vadd.s32 $0xA, v8;
	v20 =	vadd.s32 v1, v5  }
0x147: {  	v5 =	vadd.s32 $0x5, v20;
	v21 =	vadd.s32 $0xA, v20;
	v22 =	vadd.s32 v1, v9;
	v4 =	vld.idx.msk [tilespmem:v4+s11+$0x0], $0xffff  }
0x148: {  	v9 =	vadd.s32 $0x5, v22;
	v23 =	vadd.s32 $0xA, v22;
	v24 =	vadd.s32 v1, v7;
	v3 =	vld.idx.msk [tilespmem:v3+s11+$0x0], $0xffff  }
0x149: {  	v7 =	vadd.s32 $0x5, v24;
	v25 =	vadd.s32 $0xA, v24;
	v26 =	vadd.s32 v1, v6;
	v6 =	vld.idx.msk [tilespmem:v2+s11+$0x0], $0xffff  }
0x14a: {  	v13 =	vld.idx.msk [tilespmem:v8+s11+$0x0], $0xffff;
	v14 =	vadd.s32 $0x5, v26;
	v27 =	vadd.s32 $0xA, v26;
	v28 =	vadd.s32 v1, v10  }
0x14b: {  	v15 =	vadd.s32 $0x5, v2;
	v10 =	vadd.s32 v1, v11;
	v11 =	vld.idx.msk [tilespmem:v20+s11+$0x0], $0xffff;
	v29 =	vadd.s32 $0x5, v28  }
0x14c: {  	v32 =	vadd.s32 $0xA, v28;
	v30 =	vadd.s32 $0x5, v10;
	v31 =	vadd.s32 $0xA, v10;
	v16 =	vld.idx.msk [tilespmem:v22+s11+$0x0], $0xffff  }
0x14d: {  	v34 =	vadd.s32 $0xF, v8;
	v35 =	vadd.s32 $0xF, v20;
	v33 =	vadd.s32 $0xF, v10;
	v18 =	vld.idx.msk [tilespmem:v24+s11+$0x0], $0xffff;
	[tilespmem:s21+$0x1D0] =	vst v4  }
0x14e: {  	v36 =	vadd.s32 $0xF, v22;
	v37 =	vadd.s32 $0xF, v24;
	v38 =	vadd.s32 $0xF, v26;
	v4 =	vld.idx.msk [tilespmem:v26+s11+$0x0], $0xffff;
	[tilespmem:s21+$0x1E0] =	vst v3;
	s21 =	sadd.s32 $0x400, s21  }
0x14f: {  	v40 =	vadd.s32 $0x14, v8;
	v41 =	vadd.s32 $0xF, v28;
	v39 =	vadd.s32 $0x14, v10;
	v3 =	vld.idx.msk [tilespmem:v28+s11+$0x0], $0xffff;
	[tilespmem:s21+$0xFFFFFE70] =	vst v6  }
0x150: {  	v42 =	vadd.s32 $0x14, v20;
	v43 =	vadd.s32 $0x14, v22;
	v44 =	vadd.s32 $0x14, v24;
	[tilespmem:s21+$0xFFFFFE10] =	vst v13;
	v6 =	vld.idx.msk [tilespmem:v15+s11+$0x0], $0xffff  }
0x151: {  	v46 =	vadd.s32 $0x14, v26;
	v47 =	vadd.s32 $0x14, v28;
	v17 =	vadd.s32 $0x19, v10;
	v45 =	vld.idx.msk [tilespmem:v10+s11+$0x0], $0xffff;
	[tilespmem:s21+$0xFFFFFE20] =	vst v11  }
0x152: {  	v51 =	vadd.s32 $0xA, v2;
	v49 =	vadd.s32 $0x19, v8;
	v50 =	vadd.s32 $0x19, v20;
	v48 =	vld.idx.msk [tilespmem:v12+s11+$0x0], $0xffff;
	[tilespmem:s21+$0xFFFFFE30] =	vst v16  }
0x153: {  	v53 =	vadd.s32 $0x19, v22;
	v54 =	vadd.s32 $0x19, v24;
	v52 =	vld.idx.msk [tilespmem:v5+s11+$0x0], $0xffff;
	[tilespmem:s21+$0xFFFFFE40] =	vst v18;
	v18 =	vadd.s32 $0x19, v26  }
0x154: {  	v56 =	vadd.s32 $0x19, v28;
	v15 =	vadd.s32 $0x1E, v10;
	v12 =	vadd.s32 $0x1E, v8;
	v55 =	vld.idx.msk [tilespmem:v9+s11+$0x0], $0xffff;
	[tilespmem:s21+$0xFFFFFE50] =	vst v4  }
0x155: {  	v13 =	vadd.s32 $0x1E, v22;
	v11 =	vadd.s32 $0x1E, v24;
	v16 =	vadd.s32 $0x1E, v20;
	v57 =	vld.idx.msk [tilespmem:v7+s11+$0x0], $0xffff;
	[tilespmem:s21+$0xFFFFFE60] =	vst v3  }
0x156: {  	v5 =	vadd.s32 $0x23, v10;
	v10 =	vadd.s32 $0x1E, v28;
	v58 =	vld.idx.msk [tilespmem:v14+s11+$0x0], $0xffff;
	v14 =	vadd.s32 $0x1E, v26;
	[tilespmem:s21+$0xFFFFFEF0] =	vst v6  }
0x157: {  	v9 =	vadd.s32 $0x23, v8;
	v7 =	vadd.s32 $0x23, v20;
	v6 =	vadd.s32 $0x23, v22;
	[tilespmem:s21+$0xFFFFFE00] =	vst v45;
	v20 =	vld.idx.msk [tilespmem:v51+s11+$0x0], $0xffff  }
0x158: {  	v8 =	vadd.s32 $0x23, v24;
	v4 =	vadd.s32 $0x23, v26;
	v3 =	vadd.s32 $0x23, v28;
	v22 =	vld.idx.msk [tilespmem:v30+s11+$0x0], $0xffff;
	[tilespmem:s21+$0xFFFFFE90] =	vst v48  }
0x159: {  	v26 =	vadd.s32 $0xF, v2;
	[tilespmem:s21+$0xFFFFFEA0] =	vst v52;
	v24 =	vld.idx.msk [tilespmem:v29+s11+$0x0], $0xffff  }
0x15a: {  	v19 =	vld.idx.msk [tilespmem:v19+s11+$0x0], $0xffff;
	[tilespmem:s21+$0xFFFFFEB0] =	vst v55  }
0x15b: {  	v21 =	vld.idx.msk [tilespmem:v21+s11+$0x0], $0xffff;
	[tilespmem:s21+$0xFFFFFEC0] =	vst v57  }
0x15c: {  	v23 =	vld.idx.msk [tilespmem:v23+s11+$0x0], $0xffff;
	[tilespmem:s21+$0xFFFFFED0] =	vst v58  }
0x15d: {  	v25 =	vld.idx.msk [tilespmem:v25+s11+$0x0], $0xffff;
	[tilespmem:s21+$0xFFFFFF70] =	vst v20  }
0x15e: {  	[tilespmem:s21+$0xFFFFFE80] =	vst v22;
	v20 =	vld.idx.msk [tilespmem:v26+s11+$0x0], $0xffff  }
0x15f: {  	v22 =	vld.idx.msk [tilespmem:v31+s11+$0x0], $0xffff;
	[tilespmem:s21+$0xFFFFFEE0] =	vst v24  }
0x160: {  	v24 =	vadd.s32 $0x14, v2;
	[tilespmem:s21+$0xFFFFFF10] =	vst v19;
	v19 =	vld.idx.msk [tilespmem:v27+s11+$0x0], $0xffff  }
0x161: {  	[tilespmem:s21+$0xFFFFFF20] =	vst v21;
	v21 =	vld.idx.msk [tilespmem:v32+s11+$0x0], $0xffff  }
0x162: {  	v26 =	vld.idx.msk [tilespmem:v34+s11+$0x0], $0xffff;
	[tilespmem:s21+$0xFFFFFF30] =	vst v23  }
0x163: {  	v23 =	vld.idx.msk [tilespmem:v35+s11+$0x0], $0xffff;
	[tilespmem:s21+$0xFFFFFF40] =	vst v25  }
0x164: {  	v25 =	vld.idx.msk [tilespmem:v36+s11+$0x0], $0xffff;
	[tilespmem:s21+$0xFFFFFFF0] =	vst v20  }
0x165: {  	[tilespmem:s21+$0xFFFFFF00] =	vst v22;
	v20 =	vld.idx.msk [tilespmem:v24+s11+$0x0], $0xffff  }
0x166: {  	v22 =	vld.idx.msk [tilespmem:v33+s11+$0x0], $0xffff;
	[tilespmem:s21+$0xFFFFFF50] =	vst v19  }
0x167: {  	v19 =	vld.idx.msk [tilespmem:v37+s11+$0x0], $0xffff;
	[tilespmem:s21+$0xFFFFFF60] =	vst v21;
	v21 =	vadd.s32 $0x19, v2  }
0x168: {  	[tilespmem:s21+$0xFFFFFF90] =	vst v26;
	v24 =	vld.idx.msk [tilespmem:v38+s11+$0x0], $0xffff  }
0x169: {  	[tilespmem:s21+$0xFFFFFFA0] =	vst v23;
	v23 =	vld.idx.msk [tilespmem:v41+s11+$0x0], $0xffff  }
0x16a: {  	v26 =	vld.idx.msk [tilespmem:v40+s11+$0x0], $0xffff;
	[tilespmem:s21+$0xFFFFFFB0] =	vst v25  }
0x16b: {  	v25 =	vld.idx.msk [tilespmem:v42+s11+$0x0], $0xffff;
	[tilespmem:s21+$0x70] =	vst v20  }
0x16c: {  	[tilespmem:s21+$0xFFFFFF80] =	vst v22;
	v20 =	vld.idx.msk [tilespmem:v21+s11+$0x0], $0xffff  }
0x16d: {  	v21 =	vld.idx.msk [tilespmem:v39+s11+$0x0], $0xffff;
	[tilespmem:s21+$0xFFFFFFC0] =	vst v19  }
0x16e: {  	v22 =	vadd.s32 $0x1E, v2;
	v19 =	vld.idx.msk [tilespmem:v43+s11+$0x0], $0xffff;
	[tilespmem:s21+$0xFFFFFFD0] =	vst v24  }
0x16f: {  	v24 =	vld.idx.msk [tilespmem:v44+s11+$0x0], $0xffff;
	[tilespmem:s21+$0xFFFFFFE0] =	vst v23  }
0x170: {  	[tilespmem:s21+$0x10] =	vst v26;
	v23 =	vld.idx.msk [tilespmem:v46+s11+$0x0], $0xffff  }
0x171: {  	[tilespmem:s21+$0x20] =	vst v25;
	v25 =	vld.idx.msk [tilespmem:v47+s11+$0x0], $0xffff  }
0x172: {  	v26 =	vld.idx.msk [tilespmem:v49+s11+$0x0], $0xffff;
	[tilespmem:s21+$0xF0] =	vst v20  }
0x173: {  	[tilespmem:s21+$0x0] =	vst v21;
	v20 =	vld.idx.msk [tilespmem:v22+s11+$0x0], $0xffff  }
0x174: {  	v17 =	vld.idx.msk [tilespmem:v17+s11+$0x0], $0xffff;
	[tilespmem:s21+$0x30] =	vst v19  }
0x175: {  	v2 =	vadd.s32 $0x23, v2;
	v19 =	vld.idx.msk [tilespmem:v50+s11+$0x0], $0xffff;
	[tilespmem:s21+$0x40] =	vst v24  }
0x176: {  	v21 =	vld.idx.msk [tilespmem:v53+s11+$0x0], $0xffff;
	[tilespmem:s21+$0x50] =	vst v23  }
0x177: {  	v22 =	vld.idx.msk [tilespmem:v54+s11+$0x0], $0xffff;
	[tilespmem:s21+$0x60] =	vst v25  }
0x178: {  	[tilespmem:s21+$0x90] =	vst v26;
	v18 =	vld.idx.msk [tilespmem:v18+s11+$0x0], $0xffff  }
0x179: {  	v23 =	vld.idx.msk [tilespmem:v56+s11+$0x0], $0xffff;
	[tilespmem:s21+$0x170] =	vst v20  }
0x17a: {  	[tilespmem:s21+$0x80] =	vst v17;
	v2 =	vld.idx.msk [tilespmem:v2+s11+$0x0], $0xffff  }
0x17b: {  	v15 =	vld.idx.msk [tilespmem:v15+s11+$0x0], $0xffff;
	[tilespmem:s21+$0xA0] =	vst v19  }
0x17c: {  	v12 =	vld.idx.msk [tilespmem:v12+s11+$0x0], $0xffff;
	[tilespmem:s21+$0xB0] =	vst v21  }
0x17d: {  	v16 =	vld.idx.msk [tilespmem:v16+s11+$0x0], $0xffff;
	[tilespmem:s21+$0xC0] =	vst v22  }
0x17e: {  	v13 =	vld.idx.msk [tilespmem:v13+s11+$0x0], $0xffff;
	[tilespmem:s21+$0xD0] =	vst v18  }
0x17f: {  	v11 =	vld.idx.msk [tilespmem:v11+s11+$0x0], $0xffff;
	[tilespmem:s21+$0xE0] =	vst v23  }
0x180: {  	v14 =	vld.idx.msk [tilespmem:v14+s11+$0x0], $0xffff;
	[tilespmem:s21+$0x1F0] =	vst v2  }
0x181: {  	[tilespmem:s21+$0x100] =	vst v15;
	v10 =	vld.idx.msk [tilespmem:v10+s11+$0x0], $0xffff  }
.Ltmp3:
0x182: {  	v5 =	vld.idx.msk [tilespmem:v5+s11+$0x0], $0xffff;
	[tilespmem:s21+$0x110] =	vst v12;
	(pc) =	sbr.rel @p0 .LBB2_9-.Ltmp3, $4  }
0x183: {  	v9 =	vld.idx.msk [tilespmem:v9+s11+$0x0], $0xffff;
	[tilespmem:s21+$0x120] =	vst v16  }
0x184: {  	v7 =	vld.idx.msk [tilespmem:v7+s11+$0x0], $0xffff;
	[tilespmem:s21+$0x130] =	vst v13  }
0x185: {  	v6 =	vld.idx.msk [tilespmem:v6+s11+$0x0], $0xffff;
	[tilespmem:s21+$0x140] =	vst v11  }
0x186: {  	s23 =	sadd.s32 $0x80, s23;
	v8 =	vld.idx.msk [tilespmem:v8+s11+$0x0], $0xffff;
	[tilespmem:s21+$0x150] =	vst v14  }
0x187: {  	_ =	sdelay $0x2  }
0x188: {  	[tilespmem:s21+$0x160] =	vst v10  }
0x189: {  	[tilespmem:s21+$0x180] =	vst v5;
	v2 =	vld.idx.msk [tilespmem:v4+s11+$0x0], $0xffff  }
0x18a: {  	[tilespmem:s21+$0x190] =	vst v9;
	v3 =	vld.idx.msk [tilespmem:v3+s11+$0x0], $0xffff  }
0x18b: {  	[tilespmem:s21+$0x1A0] =	vst v7  }
0x18c: {  	[tilespmem:s21+$0x1B0] =	vst v6  }
0x18d: {  	[tilespmem:s21+$0x1C0] =	vst v8  }
0x18e: {  	[tilespmem:s21+$0x1D0] =	vst v2  }
0x18f: {  	s30 =	sadd.s32 s20, s7;
	[tilespmem:s21+$0x1E0] =	vst v3  }
0x190: {  	[hbm4b:s30+s2] =	stream.linear.scatter [tilespmem:s14], [sflag:$0x2], $0x8000, $0x38;
	[tilespmem:$0x18100] =	vst v63  }
0x191: {  	_ =	swait.ge [sflag:s15], $0x8000  }
0x192: {  	[sflag:s15] =	ssyncset.done $0x0  }
0x193: {  	s31 =	simm.s32 $0x6070;
	[sflag:s15] =	ssyncadd.s32 $0xFFFF8000  }
0x194: {  	v2 =	vld [tilespmem:s31+$0x0]  }
0x195: {  	v3 =	vld [tilespmem:s31+$0xFFFFFFA0]  }
0x196: {  	v4 =	vld [tilespmem:s31+$0xFFFFFFB0]  }
0x197: {  	v5 =	vld [tilespmem:s31+$0xFFFFFFC0]  }
0x198: {  	v8 =	vld [tilespmem:s31+$0xFFFFFFD0]  }
0x199: {  	v10 =	vld [tilespmem:s31+$0xFFFFFFE0];
	v9 =	vadd.s32 v1, v2  }
0x19a: {  	v11 =	vld [tilespmem:s31+$0xFFFFFF90];
	v7 =	vadd.s32 v1, v3  }
0x19b: {  	v3 =	vld [tilespmem:s31+$0xFFFFFFF0];
	v6 =	vadd.s32 v1, v4  }
0x19c: {  	v5 =	vadd.s32 v1, v5  }
0x19d: {  	v4 =	vadd.s32 v1, v8  }
0x19e: {  	v2 =	vadd.s32 v1, v10;
	v10 =	vld.idx.msk [tilespmem:v9+s11+$0x0], $0xffff  }
0x19f: {  	v8 =	vadd.s32 v1, v11;
	v12 =	vld.idx.msk [tilespmem:v7+s11+$0x0], $0xffff  }
0x1a0: {  	v3 =	vadd.s32 v1, v3;
	v13 =	vld.idx.msk [tilespmem:v6+s11+$0x0], $0xffff  }
0x1a1: {  	v14 =	vadd.s32 $0x5, v9;
	v11 =	vld.idx.msk [tilespmem:v5+s11+$0x0], $0xffff  }
0x1a2: {  	v15 =	vadd.s32 $0x5, v7;
	v16 =	vld.idx.msk [tilespmem:v4+s11+$0x0], $0xffff  }
0x1a3: {  	s21 =	simm.s32 $0x8200;
	v17 =	vadd.s32 $0x5, v6;
	v18 =	vld.idx.msk [tilespmem:v2+s11+$0x0], $0xffff  }
0x1a4: {  	v19 =	vadd.s32 $0x5, v5;
	v21 =	vld.idx.msk [tilespmem:v8+s11+$0x0], $0xffff;
	[tilespmem:s21+$0xFFFFFE70] =	vst v10  }
0x1a5: {  	v56 =	vadd.s32 $0x5, v2;
	v20 =	vld.idx.msk [tilespmem:v3+s11+$0x0], $0xffff;
	[tilespmem:s21+$0xFFFFFE10] =	vst v12  }
0x1a6: {  	v58 =	vadd.s32 $0x5, v8;
	[tilespmem:s21+$0xFFFFFE20] =	vst v13;
	v55 =	vld.idx.msk [tilespmem:v14+s11+$0x0], $0xffff  }
0x1a7: {  	v10 =	vadd.s32 $0x5, v4;
	[tilespmem:s21+$0xFFFFFE30] =	vst v11;
	v57 =	vld.idx.msk [tilespmem:v15+s11+$0x0], $0xffff  }
0x1a8: {  	v59 =	vadd.s32 $0x5, v3;
	[tilespmem:s21+$0xFFFFFE40] =	vst v16;
	v17 =	vld.idx.msk [tilespmem:v17+s11+$0x0], $0xffff  }
0x1a9: {  	v11 =	vadd.s32 $0xA, v9;
	[tilespmem:s21+$0xFFFFFE50] =	vst v18;
	v19 =	vld.idx.msk [tilespmem:v19+s11+$0x0], $0xffff  }
0x1aa: {  	v60 =	vadd.s32 $0xA, v7;
	[tilespmem:s21+$0xFFFFFE00] =	vst v21;
	v14 =	vld.idx.msk [tilespmem:v56+s11+$0x0], $0xffff  }
0x1ab: {  	v61 =	vadd.s32 $0xA, v6;
	v15 =	vld.idx.msk [tilespmem:v58+s11+$0x0], $0xffff;
	[tilespmem:s21+$0xFFFFFE60] =	vst v20  }
0x1ac: {  	v62 =	vadd.s32 $0xA, v5;
	v10 =	vld.idx.msk [tilespmem:v10+s11+$0x0], $0xffff;
	[tilespmem:s21+$0xFFFFFEF0] =	vst v55  }
0x1ad: {  	v26 =	vadd.s32 $0xA, v8;
	[tilespmem:s21+$0xFFFFFE90] =	vst v57;
	v24 =	vld.idx.msk [tilespmem:v59+s11+$0x0], $0xffff  }
0x1ae: {  	v27 =	vadd.s32 $0xA, v2;
	[tilespmem:s21+$0xFFFFFEA0] =	vst v17;
	v11 =	vld.idx.msk [tilespmem:v11+s11+$0x0], $0xffff  }
0x1af: {  	v63 =	vadd.s32 $0xA, v4;
	[tilespmem:s21+$0xFFFFFEB0] =	vst v19;
	v18 =	vld.idx.msk [tilespmem:v60+s11+$0x0], $0xffff  }
0x1b0: {  	v25 =	vadd.s32 $0xF, v9;
	[tilespmem:s21+$0xFFFFFED0] =	vst v14;
	v20 =	vld.idx.msk [tilespmem:v61+s11+$0x0], $0xffff  }
0x1b1: {  	v28 =	vadd.s32 $0xF, v7;
	[tilespmem:s21+$0xFFFFFE80] =	vst v15;
	v12 =	vld.idx.msk [tilespmem:v62+s11+$0x0], $0xffff  }
0x1b2: {  	v30 =	vadd.s32 $0xF, v5;
	v17 =	vld.idx.msk [tilespmem:v26+s11+$0x0], $0xffff;
	[tilespmem:s21+$0xFFFFFEC0] =	vst v10  }
0x1b3: {  	v33 =	vadd.s32 $0xF, v8;
	v31 =	vld.idx.msk [tilespmem:v27+s11+$0x0], $0xffff;
	[tilespmem:s21+$0xFFFFFEE0] =	vst v24  }
0x1b4: {  	v35 =	vadd.s32 $0xF, v2;
	v21 =	vld.idx.msk [tilespmem:v63+s11+$0x0], $0xffff;
	[tilespmem:s21+$0xFFFFFF70] =	vst v11  }
0x1b5: {  	v10 =	vadd.s32 $0xA, v3;
	[tilespmem:s21+$0xFFFFFF10] =	vst v18;
	v29 =	vld.idx.msk [tilespmem:v25+s11+$0x0], $0xffff  }
0x1b6: {  	v11 =	vadd.s32 $0xF, v6;
	[tilespmem:s21+$0xFFFFFF30] =	vst v12;
	v14 =	vld.idx.msk [tilespmem:v28+s11+$0x0], $0xffff  }
0x1b7: {  	v34 =	vadd.s32 $0xF, v4;
	[tilespmem:s21+$0xFFFFFF00] =	vst v17;
	v16 =	vld.idx.msk [tilespmem:v30+s11+$0x0], $0xffff  }
0x1b8: {  	v32 =	vadd.s32 $0x14, v9;
	[tilespmem:s21+$0xFFFFFF50] =	vst v31;
	v19 =	vld.idx.msk [tilespmem:v33+s11+$0x0], $0xffff  }
0x1b9: {  	v37 =	vadd.s32 $0x14, v7;
	[tilespmem:s21+$0xFFFFFF20] =	vst v20;
	v12 =	vld.idx.msk [tilespmem:v35+s11+$0x0], $0xffff  }
0x1ba: {  	v41 =	vadd.s32 $0x14, v8;
	v10 =	vld.idx.msk [tilespmem:v10+s11+$0x0], $0xffff;
	[tilespmem:s21+$0xFFFFFF40] =	vst v21  }
0x1bb: {  	v42 =	vadd.s32 $0x14, v5;
	v11 =	vld.idx.msk [tilespmem:v11+s11+$0x0], $0xffff;
	[tilespmem:s21+$0xFFFFFFF0] =	vst v29  }
0x1bc: {  	v44 =	vadd.s32 $0x14, v2;
	v40 =	vld.idx.msk [tilespmem:v34+s11+$0x0], $0xffff;
	[tilespmem:s21+$0xFFFFFF90] =	vst v14  }
0x1bd: {  	v36 =	vadd.s32 $0xF, v3;
	[tilespmem:s21+$0xFFFFFFB0] =	vst v16;
	v38 =	vld.idx.msk [tilespmem:v32+s11+$0x0], $0xffff  }
0x1be: {  	v39 =	vadd.s32 $0x14, v6;
	[tilespmem:s21+$0xFFFFFF80] =	vst v19;
	v15 =	vld.idx.msk [tilespmem:v37+s11+$0x0], $0xffff  }
0x1bf: {  	v43 =	vadd.s32 $0x14, v4;
	[tilespmem:s21+$0xFFFFFFD0] =	vst v12;
	v20 =	vld.idx.msk [tilespmem:v41+s11+$0x0], $0xffff  }
0x1c0: {  	v47 =	vld.idx.msk [tilespmem:v42+s11+$0x0], $0xffff;
	[tilespmem:s21+$0xFFFFFF60] =	vst v10;
	v10 =	vadd.s32 $0x19, v9  }
0x1c1: {  	v49 =	vadd.s32 $0x19, v8;
	v50 =	vld.idx.msk [tilespmem:v44+s11+$0x0], $0xffff;
	[tilespmem:s21+$0xFFFFFFA0] =	vst v11  }
0x1c2: {  	v46 =	vadd.s32 $0x19, v7;
	v11 =	vld.idx.msk [tilespmem:v36+s11+$0x0], $0xffff;
	[tilespmem:s21+$0xFFFFFFC0] =	vst v40  }
0x1c3: {  	v51 =	vadd.s32 $0x19, v5;
	v18 =	vld.idx.msk [tilespmem:v39+s11+$0x0], $0xffff;
	[tilespmem:s21+$0x70] =	vst v38  }
0x1c4: {  	v45 =	vadd.s32 $0x14, v3;
	v21 =	vld.idx.msk [tilespmem:v43+s11+$0x0], $0xffff;
	[tilespmem:s21+$0x10] =	vst v15  }
0x1c5: {  	v52 =	vadd.s32 $0x19, v4;
	[tilespmem:s21+$0x0] =	vst v20;
	v10 =	vld.idx.msk [tilespmem:v10+s11+$0x0], $0xffff  }
0x1c6: {  	v48 =	vadd.s32 $0x1E, v9;
	[tilespmem:s21+$0x30] =	vst v47;
	v14 =	vld.idx.msk [tilespmem:v49+s11+$0x0], $0xffff  }
0x1c7: {  	v54 =	vadd.s32 $0x1E, v8;
	v19 =	vld.idx.msk [tilespmem:v46+s11+$0x0], $0xffff;
	[tilespmem:s21+$0xFFFFFFE0] =	vst v11  }
0x1c8: {  	v16 =	vld.idx.msk [tilespmem:v51+s11+$0x0], $0xffff;
	v11 =	vadd.s32 $0x19, v6;
	[tilespmem:s21+$0x20] =	vst v18  }
0x1c9: {  	v55 =	vadd.s32 $0x1E, v7;
	v17 =	vld.idx.msk [tilespmem:v45+s11+$0x0], $0xffff;
	[tilespmem:s21+$0x40] =	vst v21  }
0x1ca: {  	v57 =	vadd.s32 $0x1E, v5;
	v18 =	vld.idx.msk [tilespmem:v52+s11+$0x0], $0xffff;
	[tilespmem:s21+$0xF0] =	vst v10  }
0x1cb: {  	v10 =	vadd.s32 $0x19, v2;
	[tilespmem:s21+$0x80] =	vst v14;
	v12 =	vld.idx.msk [tilespmem:v48+s11+$0x0], $0xffff  }
0x1cc: {  	v53 =	vadd.s32 $0x19, v3;
	[tilespmem:s21+$0x50] =	vst v50;
	v13 =	vld.idx.msk [tilespmem:v54+s11+$0x0], $0xffff  }
0x1cd: {  	v58 =	vadd.s32 $0x1E, v4;
	[tilespmem:s21+$0x90] =	vst v19;
	v11 =	vld.idx.msk [tilespmem:v11+s11+$0x0], $0xffff  }
0x1ce: {  	v9 =	vadd.s32 $0x23, v9;
	[tilespmem:s21+$0xB0] =	vst v16;
	v15 =	vld.idx.msk [tilespmem:v55+s11+$0x0], $0xffff  }
0x1cf: {  	v56 =	vadd.s32 $0x1E, v6;
	v61 =	vld.idx.msk [tilespmem:v57+s11+$0x0], $0xffff;
	[tilespmem:s21+$0x60] =	vst v17  }
0x1d0: {  	v8 =	vadd.s32 $0x23, v8;
	[tilespmem:s21+$0xC0] =	vst v18;
	v10 =	vld.idx.msk [tilespmem:v10+s11+$0x0], $0xffff  }
0x1d1: {  	v59 =	vadd.s32 $0x1E, v2;
	v20 =	vld.idx.msk [tilespmem:v53+s11+$0x0], $0xffff;
	[tilespmem:s21+$0x170] =	vst v12  }
0x1d2: {  	v12 =	vld.idx.msk [tilespmem:v58+s11+$0x0], $0xffff;
	[tilespmem:s21+$0xA0] =	vst v11;
	v11 =	vadd.s32 $0x1E, v3  }
0x1d3: {  	v7 =	vadd.s32 $0x23, v7;
	[tilespmem:s21+$0x100] =	vst v13;
	v9 =	vld.idx.msk [tilespmem:v9+s11+$0x0], $0xffff  }
0x1d4: {  	v63 =	vadd.s32 $0x23, v4;
	[tilespmem:s21+$0x110] =	vst v15;
	v60 =	vld.idx.msk [tilespmem:v56+s11+$0x0], $0xffff  }
0x1d5: {  	v62 =	vadd.s32 $0x23, v5;
	v6 =	vadd.s32 $0x23, v6;
	v5 =	vld.idx.msk [tilespmem:v8+s11+$0x0], $0xffff;
	[tilespmem:s21+$0xD0] =	vst v10  }
0x1d6: {  	[tilespmem:s21+$0xE0] =	vst v20;
	v14 =	vld.idx.msk [tilespmem:v59+s11+$0x0], $0xffff  }
0x1d7: {  	[tilespmem:s21+$0x140] =	vst v12;
	v10 =	vld.idx.msk [tilespmem:v11+s11+$0x0], $0xffff  }
0x1d8: {  	[tilespmem:s21+$0x1F0] =	vst v9;
	v9 =	vld.idx.msk [tilespmem:v7+s11+$0x0], $0xffff  }
0x1d9: {  	v8 =	vld.idx.msk [tilespmem:v63+s11+$0x0], $0xffff;
	[tilespmem:s21+$0x120] =	vst v60  }
0x1da: {  	[tilespmem:s21+$0x130] =	vst v61;
	v7 =	vld.idx.msk [tilespmem:v6+s11+$0x0], $0xffff  }
0x1db: {  	s22 =	simm.s32 $0x0;
	s23 =	simm.s32 $0x60F0;
	v4 =	vadd.s32 $0x23, v2;
	v3 =	vadd.s32 $0x23, v3;
	v6 =	vld.idx.msk [tilespmem:v62+s11+$0x0], $0xffff;
	[tilespmem:s21+$0x150] =	vst v14  }
.LBB2_11:
0x1dc: {  	v2 =	vld [tilespmem:s23+$0x0];
	s22 =	sadd.s32 $0x8, s22;
	[tilespmem:s21+$0x160] =	vst v10  }
0x1dd: {  	v10 =	vld [tilespmem:s23+$0xFFFFFFA0];
	p0 =	slt.u32 s22, $0xF8;
	[tilespmem:s21+$0x180] =	vst v5  }
0x1de: {  	v5 =	vld [tilespmem:s23+$0xFFFFFFB0];
	[tilespmem:s21+$0x190] =	vst v9  }
0x1df: {  	v9 =	vld [tilespmem:s23+$0xFFFFFFC0];
	[tilespmem:s21+$0x1A0] =	vst v7  }
0x1e0: {  	v7 =	vld [tilespmem:s23+$0xFFFFFFD0];
	[tilespmem:s21+$0x1B0] =	vst v6  }
0x1e1: {  	v6 =	vld [tilespmem:s23+$0xFFFFFFE0];
	v2 =	vadd.s32 v1, v2;
	[tilespmem:s21+$0x1C0] =	vst v8  }
0x1e2: {  	v8 =	vadd.s32 v1, v10;
	v10 =	vld [tilespmem:s23+$0xFFFFFFF0]  }
0x1e3: {  	v11 =	vld [tilespmem:s23+$0xFFFFFF90];
	v12 =	vadd.s32 $0x5, v8;
	v19 =	vadd.s32 $0xA, v8;
	v20 =	vadd.s32 v1, v5  }
0x1e4: {  	v5 =	vadd.s32 $0x5, v20;
	v21 =	vadd.s32 $0xA, v20;
	v22 =	vadd.s32 v1, v9;
	v4 =	vld.idx.msk [tilespmem:v4+s11+$0x0], $0xffff  }
0x1e5: {  	v9 =	vadd.s32 $0x5, v22;
	v23 =	vadd.s32 $0xA, v22;
	v24 =	vadd.s32 v1, v7;
	v3 =	vld.idx.msk [tilespmem:v3+s11+$0x0], $0xffff  }
0x1e6: {  	v7 =	vadd.s32 $0x5, v24;
	v25 =	vadd.s32 $0xA, v24;
	v26 =	vadd.s32 v1, v6;
	v6 =	vld.idx.msk [tilespmem:v2+s11+$0x0], $0xffff  }
0x1e7: {  	v13 =	vld.idx.msk [tilespmem:v8+s11+$0x0], $0xffff;
	v14 =	vadd.s32 $0x5, v26;
	v27 =	vadd.s32 $0xA, v26;
	v28 =	vadd.s32 v1, v10  }
0x1e8: {  	v15 =	vadd.s32 $0x5, v2;
	v10 =	vadd.s32 v1, v11;
	v11 =	vld.idx.msk [tilespmem:v20+s11+$0x0], $0xffff;
	v29 =	vadd.s32 $0x5, v28  }
0x1e9: {  	v32 =	vadd.s32 $0xA, v28;
	v30 =	vadd.s32 $0x5, v10;
	v31 =	vadd.s32 $0xA, v10;
	v16 =	vld.idx.msk [tilespmem:v22+s11+$0x0], $0xffff  }
0x1ea: {  	v34 =	vadd.s32 $0xF, v8;
	v35 =	vadd.s32 $0xF, v20;
	v33 =	vadd.s32 $0xF, v10;
	v18 =	vld.idx.msk [tilespmem:v24+s11+$0x0], $0xffff;
	[tilespmem:s21+$0x1D0] =	vst v4  }
0x1eb: {  	v36 =	vadd.s32 $0xF, v22;
	v37 =	vadd.s32 $0xF, v24;
	v38 =	vadd.s32 $0xF, v26;
	v4 =	vld.idx.msk [tilespmem:v26+s11+$0x0], $0xffff;
	[tilespmem:s21+$0x1E0] =	vst v3;
	s21 =	sadd.s32 $0x400, s21  }
0x1ec: {  	v40 =	vadd.s32 $0x14, v8;
	v41 =	vadd.s32 $0xF, v28;
	v39 =	vadd.s32 $0x14, v10;
	v3 =	vld.idx.msk [tilespmem:v28+s11+$0x0], $0xffff;
	[tilespmem:s21+$0xFFFFFE70] =	vst v6  }
0x1ed: {  	v42 =	vadd.s32 $0x14, v20;
	v43 =	vadd.s32 $0x14, v22;
	v44 =	vadd.s32 $0x14, v24;
	[tilespmem:s21+$0xFFFFFE10] =	vst v13;
	v6 =	vld.idx.msk [tilespmem:v15+s11+$0x0], $0xffff  }
0x1ee: {  	v46 =	vadd.s32 $0x14, v26;
	v47 =	vadd.s32 $0x14, v28;
	v17 =	vadd.s32 $0x19, v10;
	v45 =	vld.idx.msk [tilespmem:v10+s11+$0x0], $0xffff;
	[tilespmem:s21+$0xFFFFFE20] =	vst v11  }
0x1ef: {  	v51 =	vadd.s32 $0xA, v2;
	v49 =	vadd.s32 $0x19, v8;
	v50 =	vadd.s32 $0x19, v20;
	v48 =	vld.idx.msk [tilespmem:v12+s11+$0x0], $0xffff;
	[tilespmem:s21+$0xFFFFFE30] =	vst v16  }
0x1f0: {  	v53 =	vadd.s32 $0x19, v22;
	v54 =	vadd.s32 $0x19, v24;
	v52 =	vld.idx.msk [tilespmem:v5+s11+$0x0], $0xffff;
	[tilespmem:s21+$0xFFFFFE40] =	vst v18;
	v18 =	vadd.s32 $0x19, v26  }
0x1f1: {  	v56 =	vadd.s32 $0x19, v28;
	v15 =	vadd.s32 $0x1E, v10;
	v12 =	vadd.s32 $0x1E, v8;
	v55 =	vld.idx.msk [tilespmem:v9+s11+$0x0], $0xffff;
	[tilespmem:s21+$0xFFFFFE50] =	vst v4  }
0x1f2: {  	v13 =	vadd.s32 $0x1E, v22;
	v11 =	vadd.s32 $0x1E, v24;
	v16 =	vadd.s32 $0x1E, v20;
	v57 =	vld.idx.msk [tilespmem:v7+s11+$0x0], $0xffff;
	[tilespmem:s21+$0xFFFFFE60] =	vst v3  }
0x1f3: {  	v5 =	vadd.s32 $0x23, v10;
	v10 =	vadd.s32 $0x1E, v28;
	v58 =	vld.idx.msk [tilespmem:v14+s11+$0x0], $0xffff;
	v14 =	vadd.s32 $0x1E, v26;
	[tilespmem:s21+$0xFFFFFEF0] =	vst v6  }
0x1f4: {  	v9 =	vadd.s32 $0x23, v8;
	v7 =	vadd.s32 $0x23, v20;
	v6 =	vadd.s32 $0x23, v22;
	[tilespmem:s21+$0xFFFFFE00] =	vst v45;
	v20 =	vld.idx.msk [tilespmem:v51+s11+$0x0], $0xffff  }
0x1f5: {  	v8 =	vadd.s32 $0x23, v24;
	v4 =	vadd.s32 $0x23, v26;
	v3 =	vadd.s32 $0x23, v28;
	v22 =	vld.idx.msk [tilespmem:v30+s11+$0x0], $0xffff;
	[tilespmem:s21+$0xFFFFFE90] =	vst v48  }
0x1f6: {  	v26 =	vadd.s32 $0xF, v2;
	[tilespmem:s21+$0xFFFFFEA0] =	vst v52;
	v24 =	vld.idx.msk [tilespmem:v29+s11+$0x0], $0xffff  }
0x1f7: {  	v19 =	vld.idx.msk [tilespmem:v19+s11+$0x0], $0xffff;
	[tilespmem:s21+$0xFFFFFEB0] =	vst v55  }
0x1f8: {  	v21 =	vld.idx.msk [tilespmem:v21+s11+$0x0], $0xffff;
	[tilespmem:s21+$0xFFFFFEC0] =	vst v57  }
0x1f9: {  	v23 =	vld.idx.msk [tilespmem:v23+s11+$0x0], $0xffff;
	[tilespmem:s21+$0xFFFFFED0] =	vst v58  }
0x1fa: {  	v25 =	vld.idx.msk [tilespmem:v25+s11+$0x0], $0xffff;
	[tilespmem:s21+$0xFFFFFF70] =	vst v20  }
0x1fb: {  	[tilespmem:s21+$0xFFFFFE80] =	vst v22;
	v20 =	vld.idx.msk [tilespmem:v26+s11+$0x0], $0xffff  }
0x1fc: {  	v22 =	vld.idx.msk [tilespmem:v31+s11+$0x0], $0xffff;
	[tilespmem:s21+$0xFFFFFEE0] =	vst v24  }
0x1fd: {  	v24 =	vadd.s32 $0x14, v2;
	[tilespmem:s21+$0xFFFFFF10] =	vst v19;
	v19 =	vld.idx.msk [tilespmem:v27+s11+$0x0], $0xffff  }
0x1fe: {  	[tilespmem:s21+$0xFFFFFF20] =	vst v21;
	v21 =	vld.idx.msk [tilespmem:v32+s11+$0x0], $0xffff  }
0x1ff: {  	v26 =	vld.idx.msk [tilespmem:v34+s11+$0x0], $0xffff;
	[tilespmem:s21+$0xFFFFFF30] =	vst v23  }
0x200: {  	v23 =	vld.idx.msk [tilespmem:v35+s11+$0x0], $0xffff;
	[tilespmem:s21+$0xFFFFFF40] =	vst v25  }
0x201: {  	v25 =	vld.idx.msk [tilespmem:v36+s11+$0x0], $0xffff;
	[tilespmem:s21+$0xFFFFFFF0] =	vst v20  }
0x202: {  	[tilespmem:s21+$0xFFFFFF00] =	vst v22;
	v20 =	vld.idx.msk [tilespmem:v24+s11+$0x0], $0xffff  }
0x203: {  	v22 =	vld.idx.msk [tilespmem:v33+s11+$0x0], $0xffff;
	[tilespmem:s21+$0xFFFFFF50] =	vst v19  }
0x204: {  	v19 =	vld.idx.msk [tilespmem:v37+s11+$0x0], $0xffff;
	[tilespmem:s21+$0xFFFFFF60] =	vst v21;
	v21 =	vadd.s32 $0x19, v2  }
0x205: {  	[tilespmem:s21+$0xFFFFFF90] =	vst v26;
	v24 =	vld.idx.msk [tilespmem:v38+s11+$0x0], $0xffff  }
0x206: {  	[tilespmem:s21+$0xFFFFFFA0] =	vst v23;
	v23 =	vld.idx.msk [tilespmem:v41+s11+$0x0], $0xffff  }
0x207: {  	v26 =	vld.idx.msk [tilespmem:v40+s11+$0x0], $0xffff;
	[tilespmem:s21+$0xFFFFFFB0] =	vst v25  }
0x208: {  	v25 =	vld.idx.msk [tilespmem:v42+s11+$0x0], $0xffff;
	[tilespmem:s21+$0x70] =	vst v20  }
0x209: {  	[tilespmem:s21+$0xFFFFFF80] =	vst v22;
	v20 =	vld.idx.msk [tilespmem:v21+s11+$0x0], $0xffff  }
0x20a: {  	v21 =	vld.idx.msk [tilespmem:v39+s11+$0x0], $0xffff;
	[tilespmem:s21+$0xFFFFFFC0] =	vst v19  }
0x20b: {  	v22 =	vadd.s32 $0x1E, v2;
	v19 =	vld.idx.msk [tilespmem:v43+s11+$0x0], $0xffff;
	[tilespmem:s21+$0xFFFFFFD0] =	vst v24  }
0x20c: {  	v24 =	vld.idx.msk [tilespmem:v44+s11+$0x0], $0xffff;
	[tilespmem:s21+$0xFFFFFFE0] =	vst v23  }
0x20d: {  	[tilespmem:s21+$0x10] =	vst v26;
	v23 =	vld.idx.msk [tilespmem:v46+s11+$0x0], $0xffff  }
0x20e: {  	[tilespmem:s21+$0x20] =	vst v25;
	v25 =	vld.idx.msk [tilespmem:v47+s11+$0x0], $0xffff  }
0x20f: {  	v26 =	vld.idx.msk [tilespmem:v49+s11+$0x0], $0xffff;
	[tilespmem:s21+$0xF0] =	vst v20  }
0x210: {  	[tilespmem:s21+$0x0] =	vst v21;
	v20 =	vld.idx.msk [tilespmem:v22+s11+$0x0], $0xffff  }
0x211: {  	v17 =	vld.idx.msk [tilespmem:v17+s11+$0x0], $0xffff;
	[tilespmem:s21+$0x30] =	vst v19  }
0x212: {  	v2 =	vadd.s32 $0x23, v2;
	v19 =	vld.idx.msk [tilespmem:v50+s11+$0x0], $0xffff;
	[tilespmem:s21+$0x40] =	vst v24  }
0x213: {  	v21 =	vld.idx.msk [tilespmem:v53+s11+$0x0], $0xffff;
	[tilespmem:s21+$0x50] =	vst v23  }
0x214: {  	v22 =	vld.idx.msk [tilespmem:v54+s11+$0x0], $0xffff;
	[tilespmem:s21+$0x60] =	vst v25  }
0x215: {  	[tilespmem:s21+$0x90] =	vst v26;
	v18 =	vld.idx.msk [tilespmem:v18+s11+$0x0], $0xffff  }
0x216: {  	v23 =	vld.idx.msk [tilespmem:v56+s11+$0x0], $0xffff;
	[tilespmem:s21+$0x170] =	vst v20  }
0x217: {  	[tilespmem:s21+$0x80] =	vst v17;
	v2 =	vld.idx.msk [tilespmem:v2+s11+$0x0], $0xffff  }
0x218: {  	v15 =	vld.idx.msk [tilespmem:v15+s11+$0x0], $0xffff;
	[tilespmem:s21+$0xA0] =	vst v19  }
0x219: {  	v12 =	vld.idx.msk [tilespmem:v12+s11+$0x0], $0xffff;
	[tilespmem:s21+$0xB0] =	vst v21  }
0x21a: {  	v16 =	vld.idx.msk [tilespmem:v16+s11+$0x0], $0xffff;
	[tilespmem:s21+$0xC0] =	vst v22  }
0x21b: {  	v13 =	vld.idx.msk [tilespmem:v13+s11+$0x0], $0xffff;
	[tilespmem:s21+$0xD0] =	vst v18  }
0x21c: {  	v11 =	vld.idx.msk [tilespmem:v11+s11+$0x0], $0xffff;
	[tilespmem:s21+$0xE0] =	vst v23  }
0x21d: {  	v14 =	vld.idx.msk [tilespmem:v14+s11+$0x0], $0xffff;
	[tilespmem:s21+$0x1F0] =	vst v2  }
0x21e: {  	[tilespmem:s21+$0x100] =	vst v15;
	v10 =	vld.idx.msk [tilespmem:v10+s11+$0x0], $0xffff  }
.Ltmp4:
0x21f: {  	v5 =	vld.idx.msk [tilespmem:v5+s11+$0x0], $0xffff;
	[tilespmem:s21+$0x110] =	vst v12;
	(pc) =	sbr.rel @p0 .LBB2_11-.Ltmp4, $4  }
0x220: {  	v9 =	vld.idx.msk [tilespmem:v9+s11+$0x0], $0xffff;
	[tilespmem:s21+$0x120] =	vst v16  }
0x221: {  	v7 =	vld.idx.msk [tilespmem:v7+s11+$0x0], $0xffff;
	[tilespmem:s21+$0x130] =	vst v13  }
0x222: {  	v6 =	vld.idx.msk [tilespmem:v6+s11+$0x0], $0xffff;
	[tilespmem:s21+$0x140] =	vst v11  }
0x223: {  	s23 =	sadd.s32 $0x80, s23;
	v8 =	vld.idx.msk [tilespmem:v8+s11+$0x0], $0xffff;
	[tilespmem:s21+$0x150] =	vst v14  }
0x224: {  	_ =	sdelay $0x2  }
0x225: {  	[tilespmem:s21+$0x160] =	vst v10  }
0x226: {  	[tilespmem:s21+$0x180] =	vst v5;
	v2 =	vld.idx.msk [tilespmem:v4+s11+$0x0], $0xffff  }
0x227: {  	[tilespmem:s21+$0x190] =	vst v9;
	v3 =	vld.idx.msk [tilespmem:v3+s11+$0x0], $0xffff  }
0x228: {  	[tilespmem:s21+$0x1A0] =	vst v7  }
0x229: {  	[tilespmem:s21+$0x1B0] =	vst v6  }
0x22a: {  	[tilespmem:s21+$0x1C0] =	vst v8  }
0x22b: {  	[tilespmem:s21+$0x1D0] =	vst v2  }
0x22c: {  	s30 =	sadd.s32 s20, s8;
	[tilespmem:s21+$0x1E0] =	vst v3  }
0x22d: {  	[hbm4b:s30+s2] =	stream.linear.scatter [tilespmem:s13], [sflag:$0x1], $0x8000, $0x38;
	[tilespmem:$0x18100] =	vst v63  }
0x22e: {  	_ =	swait.ge [sflag:s16], $0x8000  }
0x22f: {  	[sflag:s16] =	ssyncset.done $0x0  }
0x230: {  	s31 =	simm.s32 $0x7070;
	[sflag:s16] =	ssyncadd.s32 $0xFFFF8000  }
0x231: {  	v2 =	vld [tilespmem:s31+$0x0]  }
0x232: {  	v3 =	vld [tilespmem:s31+$0xFFFFFFA0]  }
0x233: {  	v4 =	vld [tilespmem:s31+$0xFFFFFFB0]  }
0x234: {  	v5 =	vld [tilespmem:s31+$0xFFFFFFC0]  }
0x235: {  	v8 =	vld [tilespmem:s31+$0xFFFFFFD0]  }
0x236: {  	v10 =	vld [tilespmem:s31+$0xFFFFFFE0];
	v9 =	vadd.s32 v1, v2  }
0x237: {  	v11 =	vld [tilespmem:s31+$0xFFFFFF90];
	v7 =	vadd.s32 v1, v3  }
0x238: {  	v3 =	vld [tilespmem:s31+$0xFFFFFFF0];
	v6 =	vadd.s32 v1, v4  }
0x239: {  	v5 =	vadd.s32 v1, v5  }
0x23a: {  	v4 =	vadd.s32 v1, v8  }
0x23b: {  	v2 =	vadd.s32 v1, v10;
	v10 =	vld.idx.msk [tilespmem:v9+s11+$0x0], $0xffff  }
0x23c: {  	v8 =	vadd.s32 v1, v11;
	v12 =	vld.idx.msk [tilespmem:v7+s11+$0x0], $0xffff  }
0x23d: {  	v3 =	vadd.s32 v1, v3;
	v13 =	vld.idx.msk [tilespmem:v6+s11+$0x0], $0xffff  }
0x23e: {  	v14 =	vadd.s32 $0x5, v9;
	v11 =	vld.idx.msk [tilespmem:v5+s11+$0x0], $0xffff  }
0x23f: {  	v15 =	vadd.s32 $0x5, v7;
	v16 =	vld.idx.msk [tilespmem:v4+s11+$0x0], $0xffff  }
0x240: {  	s21 =	simm.s32 $0x10200;
	v17 =	vadd.s32 $0x5, v6;
	v18 =	vld.idx.msk [tilespmem:v2+s11+$0x0], $0xffff  }
0x241: {  	v19 =	vadd.s32 $0x5, v5;
	v21 =	vld.idx.msk [tilespmem:v8+s11+$0x0], $0xffff;
	[tilespmem:s21+$0xFFFFFE70] =	vst v10  }
0x242: {  	v56 =	vadd.s32 $0x5, v2;
	v20 =	vld.idx.msk [tilespmem:v3+s11+$0x0], $0xffff;
	[tilespmem:s21+$0xFFFFFE10] =	vst v12  }
0x243: {  	v58 =	vadd.s32 $0x5, v8;
	[tilespmem:s21+$0xFFFFFE20] =	vst v13;
	v55 =	vld.idx.msk [tilespmem:v14+s11+$0x0], $0xffff  }
0x244: {  	v10 =	vadd.s32 $0x5, v4;
	[tilespmem:s21+$0xFFFFFE30] =	vst v11;
	v57 =	vld.idx.msk [tilespmem:v15+s11+$0x0], $0xffff  }
0x245: {  	v59 =	vadd.s32 $0x5, v3;
	[tilespmem:s21+$0xFFFFFE40] =	vst v16;
	v17 =	vld.idx.msk [tilespmem:v17+s11+$0x0], $0xffff  }
0x246: {  	v11 =	vadd.s32 $0xA, v9;
	[tilespmem:s21+$0xFFFFFE50] =	vst v18;
	v19 =	vld.idx.msk [tilespmem:v19+s11+$0x0], $0xffff  }
0x247: {  	v60 =	vadd.s32 $0xA, v7;
	[tilespmem:s21+$0xFFFFFE00] =	vst v21;
	v14 =	vld.idx.msk [tilespmem:v56+s11+$0x0], $0xffff  }
0x248: {  	v61 =	vadd.s32 $0xA, v6;
	v15 =	vld.idx.msk [tilespmem:v58+s11+$0x0], $0xffff;
	[tilespmem:s21+$0xFFFFFE60] =	vst v20  }
0x249: {  	v62 =	vadd.s32 $0xA, v5;
	v10 =	vld.idx.msk [tilespmem:v10+s11+$0x0], $0xffff;
	[tilespmem:s21+$0xFFFFFEF0] =	vst v55  }
0x24a: {  	v26 =	vadd.s32 $0xA, v8;
	[tilespmem:s21+$0xFFFFFE90] =	vst v57;
	v24 =	vld.idx.msk [tilespmem:v59+s11+$0x0], $0xffff  }
0x24b: {  	v27 =	vadd.s32 $0xA, v2;
	[tilespmem:s21+$0xFFFFFEA0] =	vst v17;
	v11 =	vld.idx.msk [tilespmem:v11+s11+$0x0], $0xffff  }
0x24c: {  	v63 =	vadd.s32 $0xA, v4;
	[tilespmem:s21+$0xFFFFFEB0] =	vst v19;
	v18 =	vld.idx.msk [tilespmem:v60+s11+$0x0], $0xffff  }
0x24d: {  	v25 =	vadd.s32 $0xF, v9;
	[tilespmem:s21+$0xFFFFFED0] =	vst v14;
	v20 =	vld.idx.msk [tilespmem:v61+s11+$0x0], $0xffff  }
0x24e: {  	v28 =	vadd.s32 $0xF, v7;
	[tilespmem:s21+$0xFFFFFE80] =	vst v15;
	v12 =	vld.idx.msk [tilespmem:v62+s11+$0x0], $0xffff  }
0x24f: {  	v30 =	vadd.s32 $0xF, v5;
	v17 =	vld.idx.msk [tilespmem:v26+s11+$0x0], $0xffff;
	[tilespmem:s21+$0xFFFFFEC0] =	vst v10  }
0x250: {  	v33 =	vadd.s32 $0xF, v8;
	v31 =	vld.idx.msk [tilespmem:v27+s11+$0x0], $0xffff;
	[tilespmem:s21+$0xFFFFFEE0] =	vst v24  }
0x251: {  	v35 =	vadd.s32 $0xF, v2;
	v21 =	vld.idx.msk [tilespmem:v63+s11+$0x0], $0xffff;
	[tilespmem:s21+$0xFFFFFF70] =	vst v11  }
0x252: {  	v10 =	vadd.s32 $0xA, v3;
	[tilespmem:s21+$0xFFFFFF10] =	vst v18;
	v29 =	vld.idx.msk [tilespmem:v25+s11+$0x0], $0xffff  }
0x253: {  	v11 =	vadd.s32 $0xF, v6;
	[tilespmem:s21+$0xFFFFFF30] =	vst v12;
	v14 =	vld.idx.msk [tilespmem:v28+s11+$0x0], $0xffff  }
0x254: {  	v34 =	vadd.s32 $0xF, v4;
	[tilespmem:s21+$0xFFFFFF00] =	vst v17;
	v16 =	vld.idx.msk [tilespmem:v30+s11+$0x0], $0xffff  }
0x255: {  	v32 =	vadd.s32 $0x14, v9;
	[tilespmem:s21+$0xFFFFFF50] =	vst v31;
	v19 =	vld.idx.msk [tilespmem:v33+s11+$0x0], $0xffff  }
0x256: {  	v37 =	vadd.s32 $0x14, v7;
	[tilespmem:s21+$0xFFFFFF20] =	vst v20;
	v12 =	vld.idx.msk [tilespmem:v35+s11+$0x0], $0xffff  }
0x257: {  	v41 =	vadd.s32 $0x14, v8;
	v10 =	vld.idx.msk [tilespmem:v10+s11+$0x0], $0xffff;
	[tilespmem:s21+$0xFFFFFF40] =	vst v21  }
0x258: {  	v42 =	vadd.s32 $0x14, v5;
	v11 =	vld.idx.msk [tilespmem:v11+s11+$0x0], $0xffff;
	[tilespmem:s21+$0xFFFFFFF0] =	vst v29  }
0x259: {  	v44 =	vadd.s32 $0x14, v2;
	v40 =	vld.idx.msk [tilespmem:v34+s11+$0x0], $0xffff;
	[tilespmem:s21+$0xFFFFFF90] =	vst v14  }
0x25a: {  	v36 =	vadd.s32 $0xF, v3;
	[tilespmem:s21+$0xFFFFFFB0] =	vst v16;
	v38 =	vld.idx.msk [tilespmem:v32+s11+$0x0], $0xffff  }
0x25b: {  	v39 =	vadd.s32 $0x14, v6;
	[tilespmem:s21+$0xFFFFFF80] =	vst v19;
	v15 =	vld.idx.msk [tilespmem:v37+s11+$0x0], $0xffff  }
0x25c: {  	v43 =	vadd.s32 $0x14, v4;
	[tilespmem:s21+$0xFFFFFFD0] =	vst v12;
	v20 =	vld.idx.msk [tilespmem:v41+s11+$0x0], $0xffff  }
0x25d: {  	v47 =	vld.idx.msk [tilespmem:v42+s11+$0x0], $0xffff;
	[tilespmem:s21+$0xFFFFFF60] =	vst v10;
	v10 =	vadd.s32 $0x19, v9  }
0x25e: {  	v49 =	vadd.s32 $0x19, v8;
	v50 =	vld.idx.msk [tilespmem:v44+s11+$0x0], $0xffff;
	[tilespmem:s21+$0xFFFFFFA0] =	vst v11  }
0x25f: {  	v46 =	vadd.s32 $0x19, v7;
	v11 =	vld.idx.msk [tilespmem:v36+s11+$0x0], $0xffff;
	[tilespmem:s21+$0xFFFFFFC0] =	vst v40  }
0x260: {  	v51 =	vadd.s32 $0x19, v5;
	v18 =	vld.idx.msk [tilespmem:v39+s11+$0x0], $0xffff;
	[tilespmem:s21+$0x70] =	vst v38  }
0x261: {  	v45 =	vadd.s32 $0x14, v3;
	v21 =	vld.idx.msk [tilespmem:v43+s11+$0x0], $0xffff;
	[tilespmem:s21+$0x10] =	vst v15  }
0x262: {  	v52 =	vadd.s32 $0x19, v4;
	[tilespmem:s21+$0x0] =	vst v20;
	v10 =	vld.idx.msk [tilespmem:v10+s11+$0x0], $0xffff  }
0x263: {  	v48 =	vadd.s32 $0x1E, v9;
	[tilespmem:s21+$0x30] =	vst v47;
	v14 =	vld.idx.msk [tilespmem:v49+s11+$0x0], $0xffff  }
0x264: {  	v54 =	vadd.s32 $0x1E, v8;
	v19 =	vld.idx.msk [tilespmem:v46+s11+$0x0], $0xffff;
	[tilespmem:s21+$0xFFFFFFE0] =	vst v11  }
0x265: {  	v16 =	vld.idx.msk [tilespmem:v51+s11+$0x0], $0xffff;
	v11 =	vadd.s32 $0x19, v6;
	[tilespmem:s21+$0x20] =	vst v18  }
0x266: {  	v55 =	vadd.s32 $0x1E, v7;
	v17 =	vld.idx.msk [tilespmem:v45+s11+$0x0], $0xffff;
	[tilespmem:s21+$0x40] =	vst v21  }
0x267: {  	v57 =	vadd.s32 $0x1E, v5;
	v18 =	vld.idx.msk [tilespmem:v52+s11+$0x0], $0xffff;
	[tilespmem:s21+$0xF0] =	vst v10  }
0x268: {  	v10 =	vadd.s32 $0x19, v2;
	[tilespmem:s21+$0x80] =	vst v14;
	v12 =	vld.idx.msk [tilespmem:v48+s11+$0x0], $0xffff  }
0x269: {  	v53 =	vadd.s32 $0x19, v3;
	[tilespmem:s21+$0x50] =	vst v50;
	v13 =	vld.idx.msk [tilespmem:v54+s11+$0x0], $0xffff  }
0x26a: {  	v58 =	vadd.s32 $0x1E, v4;
	[tilespmem:s21+$0x90] =	vst v19;
	v11 =	vld.idx.msk [tilespmem:v11+s11+$0x0], $0xffff  }
0x26b: {  	v9 =	vadd.s32 $0x23, v9;
	[tilespmem:s21+$0xB0] =	vst v16;
	v15 =	vld.idx.msk [tilespmem:v55+s11+$0x0], $0xffff  }
0x26c: {  	v56 =	vadd.s32 $0x1E, v6;
	v61 =	vld.idx.msk [tilespmem:v57+s11+$0x0], $0xffff;
	[tilespmem:s21+$0x60] =	vst v17  }
0x26d: {  	v8 =	vadd.s32 $0x23, v8;
	[tilespmem:s21+$0xC0] =	vst v18;
	v10 =	vld.idx.msk [tilespmem:v10+s11+$0x0], $0xffff  }
0x26e: {  	v59 =	vadd.s32 $0x1E, v2;
	v20 =	vld.idx.msk [tilespmem:v53+s11+$0x0], $0xffff;
	[tilespmem:s21+$0x170] =	vst v12  }
0x26f: {  	v12 =	vld.idx.msk [tilespmem:v58+s11+$0x0], $0xffff;
	[tilespmem:s21+$0xA0] =	vst v11;
	v11 =	vadd.s32 $0x1E, v3  }
0x270: {  	v7 =	vadd.s32 $0x23, v7;
	[tilespmem:s21+$0x100] =	vst v13;
	v9 =	vld.idx.msk [tilespmem:v9+s11+$0x0], $0xffff  }
0x271: {  	v63 =	vadd.s32 $0x23, v4;
	[tilespmem:s21+$0x110] =	vst v15;
	v60 =	vld.idx.msk [tilespmem:v56+s11+$0x0], $0xffff  }
0x272: {  	v62 =	vadd.s32 $0x23, v5;
	v6 =	vadd.s32 $0x23, v6;
	v5 =	vld.idx.msk [tilespmem:v8+s11+$0x0], $0xffff;
	[tilespmem:s21+$0xD0] =	vst v10  }
0x273: {  	[tilespmem:s21+$0xE0] =	vst v20;
	v14 =	vld.idx.msk [tilespmem:v59+s11+$0x0], $0xffff  }
0x274: {  	[tilespmem:s21+$0x140] =	vst v12;
	v10 =	vld.idx.msk [tilespmem:v11+s11+$0x0], $0xffff  }
0x275: {  	[tilespmem:s21+$0x1F0] =	vst v9;
	v9 =	vld.idx.msk [tilespmem:v7+s11+$0x0], $0xffff  }
0x276: {  	v8 =	vld.idx.msk [tilespmem:v63+s11+$0x0], $0xffff;
	[tilespmem:s21+$0x120] =	vst v60  }
0x277: {  	[tilespmem:s21+$0x130] =	vst v61;
	v7 =	vld.idx.msk [tilespmem:v6+s11+$0x0], $0xffff  }
0x278: {  	s22 =	simm.s32 $0x0;
	s23 =	simm.s32 $0x70F0;
	v4 =	vadd.s32 $0x23, v2;
	v3 =	vadd.s32 $0x23, v3;
	v6 =	vld.idx.msk [tilespmem:v62+s11+$0x0], $0xffff;
	[tilespmem:s21+$0x150] =	vst v14  }
.LBB2_13:
0x279: {  	v2 =	vld [tilespmem:s23+$0x0];
	s22 =	sadd.s32 $0x8, s22;
	[tilespmem:s21+$0x160] =	vst v10  }
0x27a: {  	v10 =	vld [tilespmem:s23+$0xFFFFFFA0];
	p0 =	slt.u32 s22, $0xF8;
	[tilespmem:s21+$0x180] =	vst v5  }
0x27b: {  	v5 =	vld [tilespmem:s23+$0xFFFFFFB0];
	[tilespmem:s21+$0x190] =	vst v9  }
0x27c: {  	v9 =	vld [tilespmem:s23+$0xFFFFFFC0];
	[tilespmem:s21+$0x1A0] =	vst v7  }
0x27d: {  	v7 =	vld [tilespmem:s23+$0xFFFFFFD0];
	[tilespmem:s21+$0x1B0] =	vst v6  }
0x27e: {  	v6 =	vld [tilespmem:s23+$0xFFFFFFE0];
	v2 =	vadd.s32 v1, v2;
	[tilespmem:s21+$0x1C0] =	vst v8  }
0x27f: {  	v8 =	vadd.s32 v1, v10;
	v10 =	vld [tilespmem:s23+$0xFFFFFFF0]  }
0x280: {  	v11 =	vld [tilespmem:s23+$0xFFFFFF90];
	v12 =	vadd.s32 $0x5, v8;
	v19 =	vadd.s32 $0xA, v8;
	v20 =	vadd.s32 v1, v5  }
0x281: {  	v5 =	vadd.s32 $0x5, v20;
	v21 =	vadd.s32 $0xA, v20;
	v22 =	vadd.s32 v1, v9;
	v4 =	vld.idx.msk [tilespmem:v4+s11+$0x0], $0xffff  }
0x282: {  	v9 =	vadd.s32 $0x5, v22;
	v23 =	vadd.s32 $0xA, v22;
	v24 =	vadd.s32 v1, v7;
	v3 =	vld.idx.msk [tilespmem:v3+s11+$0x0], $0xffff  }
0x283: {  	v7 =	vadd.s32 $0x5, v24;
	v25 =	vadd.s32 $0xA, v24;
	v26 =	vadd.s32 v1, v6;
	v6 =	vld.idx.msk [tilespmem:v2+s11+$0x0], $0xffff  }
0x284: {  	v13 =	vld.idx.msk [tilespmem:v8+s11+$0x0], $0xffff;
	v14 =	vadd.s32 $0x5, v26;
	v27 =	vadd.s32 $0xA, v26;
	v28 =	vadd.s32 v1, v10  }
0x285: {  	v15 =	vadd.s32 $0x5, v2;
	v10 =	vadd.s32 v1, v11;
	v11 =	vld.idx.msk [tilespmem:v20+s11+$0x0], $0xffff;
	v29 =	vadd.s32 $0x5, v28  }
0x286: {  	v32 =	vadd.s32 $0xA, v28;
	v30 =	vadd.s32 $0x5, v10;
	v31 =	vadd.s32 $0xA, v10;
	v16 =	vld.idx.msk [tilespmem:v22+s11+$0x0], $0xffff  }
0x287: {  	v34 =	vadd.s32 $0xF, v8;
	v35 =	vadd.s32 $0xF, v20;
	v33 =	vadd.s32 $0xF, v10;
	v18 =	vld.idx.msk [tilespmem:v24+s11+$0x0], $0xffff;
	[tilespmem:s21+$0x1D0] =	vst v4  }
0x288: {  	v36 =	vadd.s32 $0xF, v22;
	v37 =	vadd.s32 $0xF, v24;
	v38 =	vadd.s32 $0xF, v26;
	v4 =	vld.idx.msk [tilespmem:v26+s11+$0x0], $0xffff;
	[tilespmem:s21+$0x1E0] =	vst v3;
	s21 =	sadd.s32 $0x400, s21  }
0x289: {  	v40 =	vadd.s32 $0x14, v8;
	v41 =	vadd.s32 $0xF, v28;
	v39 =	vadd.s32 $0x14, v10;
	v3 =	vld.idx.msk [tilespmem:v28+s11+$0x0], $0xffff;
	[tilespmem:s21+$0xFFFFFE70] =	vst v6  }
0x28a: {  	v42 =	vadd.s32 $0x14, v20;
	v43 =	vadd.s32 $0x14, v22;
	v44 =	vadd.s32 $0x14, v24;
	[tilespmem:s21+$0xFFFFFE10] =	vst v13;
	v6 =	vld.idx.msk [tilespmem:v15+s11+$0x0], $0xffff  }
0x28b: {  	v46 =	vadd.s32 $0x14, v26;
	v47 =	vadd.s32 $0x14, v28;
	v17 =	vadd.s32 $0x19, v10;
	v45 =	vld.idx.msk [tilespmem:v10+s11+$0x0], $0xffff;
	[tilespmem:s21+$0xFFFFFE20] =	vst v11  }
0x28c: {  	v51 =	vadd.s32 $0xA, v2;
	v49 =	vadd.s32 $0x19, v8;
	v50 =	vadd.s32 $0x19, v20;
	v48 =	vld.idx.msk [tilespmem:v12+s11+$0x0], $0xffff;
	[tilespmem:s21+$0xFFFFFE30] =	vst v16  }
0x28d: {  	v53 =	vadd.s32 $0x19, v22;
	v54 =	vadd.s32 $0x19, v24;
	v52 =	vld.idx.msk [tilespmem:v5+s11+$0x0], $0xffff;
	[tilespmem:s21+$0xFFFFFE40] =	vst v18;
	v18 =	vadd.s32 $0x19, v26  }
0x28e: {  	v56 =	vadd.s32 $0x19, v28;
	v15 =	vadd.s32 $0x1E, v10;
	v12 =	vadd.s32 $0x1E, v8;
	v55 =	vld.idx.msk [tilespmem:v9+s11+$0x0], $0xffff;
	[tilespmem:s21+$0xFFFFFE50] =	vst v4  }
0x28f: {  	v13 =	vadd.s32 $0x1E, v22;
	v11 =	vadd.s32 $0x1E, v24;
	v16 =	vadd.s32 $0x1E, v20;
	v57 =	vld.idx.msk [tilespmem:v7+s11+$0x0], $0xffff;
	[tilespmem:s21+$0xFFFFFE60] =	vst v3  }
0x290: {  	v5 =	vadd.s32 $0x23, v10;
	v10 =	vadd.s32 $0x1E, v28;
	v58 =	vld.idx.msk [tilespmem:v14+s11+$0x0], $0xffff;
	v14 =	vadd.s32 $0x1E, v26;
	[tilespmem:s21+$0xFFFFFEF0] =	vst v6  }
0x291: {  	v9 =	vadd.s32 $0x23, v8;
	v7 =	vadd.s32 $0x23, v20;
	v6 =	vadd.s32 $0x23, v22;
	[tilespmem:s21+$0xFFFFFE00] =	vst v45;
	v20 =	vld.idx.msk [tilespmem:v51+s11+$0x0], $0xffff  }
0x292: {  	v8 =	vadd.s32 $0x23, v24;
	v4 =	vadd.s32 $0x23, v26;
	v3 =	vadd.s32 $0x23, v28;
	v22 =	vld.idx.msk [tilespmem:v30+s11+$0x0], $0xffff;
	[tilespmem:s21+$0xFFFFFE90] =	vst v48  }
0x293: {  	v26 =	vadd.s32 $0xF, v2;
	[tilespmem:s21+$0xFFFFFEA0] =	vst v52;
	v24 =	vld.idx.msk [tilespmem:v29+s11+$0x0], $0xffff  }
0x294: {  	v19 =	vld.idx.msk [tilespmem:v19+s11+$0x0], $0xffff;
	[tilespmem:s21+$0xFFFFFEB0] =	vst v55  }
0x295: {  	v21 =	vld.idx.msk [tilespmem:v21+s11+$0x0], $0xffff;
	[tilespmem:s21+$0xFFFFFEC0] =	vst v57  }
0x296: {  	v23 =	vld.idx.msk [tilespmem:v23+s11+$0x0], $0xffff;
	[tilespmem:s21+$0xFFFFFED0] =	vst v58  }
0x297: {  	v25 =	vld.idx.msk [tilespmem:v25+s11+$0x0], $0xffff;
	[tilespmem:s21+$0xFFFFFF70] =	vst v20  }
0x298: {  	[tilespmem:s21+$0xFFFFFE80] =	vst v22;
	v20 =	vld.idx.msk [tilespmem:v26+s11+$0x0], $0xffff  }
0x299: {  	v22 =	vld.idx.msk [tilespmem:v31+s11+$0x0], $0xffff;
	[tilespmem:s21+$0xFFFFFEE0] =	vst v24  }
0x29a: {  	v24 =	vadd.s32 $0x14, v2;
	[tilespmem:s21+$0xFFFFFF10] =	vst v19;
	v19 =	vld.idx.msk [tilespmem:v27+s11+$0x0], $0xffff  }
0x29b: {  	[tilespmem:s21+$0xFFFFFF20] =	vst v21;
	v21 =	vld.idx.msk [tilespmem:v32+s11+$0x0], $0xffff  }
0x29c: {  	v26 =	vld.idx.msk [tilespmem:v34+s11+$0x0], $0xffff;
	[tilespmem:s21+$0xFFFFFF30] =	vst v23  }
0x29d: {  	v23 =	vld.idx.msk [tilespmem:v35+s11+$0x0], $0xffff;
	[tilespmem:s21+$0xFFFFFF40] =	vst v25  }
0x29e: {  	v25 =	vld.idx.msk [tilespmem:v36+s11+$0x0], $0xffff;
	[tilespmem:s21+$0xFFFFFFF0] =	vst v20  }
0x29f: {  	[tilespmem:s21+$0xFFFFFF00] =	vst v22;
	v20 =	vld.idx.msk [tilespmem:v24+s11+$0x0], $0xffff  }
0x2a0: {  	v22 =	vld.idx.msk [tilespmem:v33+s11+$0x0], $0xffff;
	[tilespmem:s21+$0xFFFFFF50] =	vst v19  }
0x2a1: {  	v19 =	vld.idx.msk [tilespmem:v37+s11+$0x0], $0xffff;
	[tilespmem:s21+$0xFFFFFF60] =	vst v21;
	v21 =	vadd.s32 $0x19, v2  }
0x2a2: {  	[tilespmem:s21+$0xFFFFFF90] =	vst v26;
	v24 =	vld.idx.msk [tilespmem:v38+s11+$0x0], $0xffff  }
0x2a3: {  	[tilespmem:s21+$0xFFFFFFA0] =	vst v23;
	v23 =	vld.idx.msk [tilespmem:v41+s11+$0x0], $0xffff  }
0x2a4: {  	v26 =	vld.idx.msk [tilespmem:v40+s11+$0x0], $0xffff;
	[tilespmem:s21+$0xFFFFFFB0] =	vst v25  }
0x2a5: {  	v25 =	vld.idx.msk [tilespmem:v42+s11+$0x0], $0xffff;
	[tilespmem:s21+$0x70] =	vst v20  }
0x2a6: {  	[tilespmem:s21+$0xFFFFFF80] =	vst v22;
	v20 =	vld.idx.msk [tilespmem:v21+s11+$0x0], $0xffff  }
0x2a7: {  	v21 =	vld.idx.msk [tilespmem:v39+s11+$0x0], $0xffff;
	[tilespmem:s21+$0xFFFFFFC0] =	vst v19  }
0x2a8: {  	v22 =	vadd.s32 $0x1E, v2;
	v19 =	vld.idx.msk [tilespmem:v43+s11+$0x0], $0xffff;
	[tilespmem:s21+$0xFFFFFFD0] =	vst v24  }
0x2a9: {  	v24 =	vld.idx.msk [tilespmem:v44+s11+$0x0], $0xffff;
	[tilespmem:s21+$0xFFFFFFE0] =	vst v23  }
0x2aa: {  	[tilespmem:s21+$0x10] =	vst v26;
	v23 =	vld.idx.msk [tilespmem:v46+s11+$0x0], $0xffff  }
0x2ab: {  	[tilespmem:s21+$0x20] =	vst v25;
	v25 =	vld.idx.msk [tilespmem:v47+s11+$0x0], $0xffff  }
0x2ac: {  	v26 =	vld.idx.msk [tilespmem:v49+s11+$0x0], $0xffff;
	[tilespmem:s21+$0xF0] =	vst v20  }
0x2ad: {  	[tilespmem:s21+$0x0] =	vst v21;
	v20 =	vld.idx.msk [tilespmem:v22+s11+$0x0], $0xffff  }
0x2ae: {  	v17 =	vld.idx.msk [tilespmem:v17+s11+$0x0], $0xffff;
	[tilespmem:s21+$0x30] =	vst v19  }
0x2af: {  	v2 =	vadd.s32 $0x23, v2;
	v19 =	vld.idx.msk [tilespmem:v50+s11+$0x0], $0xffff;
	[tilespmem:s21+$0x40] =	vst v24  }
0x2b0: {  	v21 =	vld.idx.msk [tilespmem:v53+s11+$0x0], $0xffff;
	[tilespmem:s21+$0x50] =	vst v23  }
0x2b1: {  	v22 =	vld.idx.msk [tilespmem:v54+s11+$0x0], $0xffff;
	[tilespmem:s21+$0x60] =	vst v25  }
0x2b2: {  	[tilespmem:s21+$0x90] =	vst v26;
	v18 =	vld.idx.msk [tilespmem:v18+s11+$0x0], $0xffff  }
0x2b3: {  	v23 =	vld.idx.msk [tilespmem:v56+s11+$0x0], $0xffff;
	[tilespmem:s21+$0x170] =	vst v20  }
0x2b4: {  	[tilespmem:s21+$0x80] =	vst v17;
	v2 =	vld.idx.msk [tilespmem:v2+s11+$0x0], $0xffff  }
0x2b5: {  	v15 =	vld.idx.msk [tilespmem:v15+s11+$0x0], $0xffff;
	[tilespmem:s21+$0xA0] =	vst v19  }
0x2b6: {  	v12 =	vld.idx.msk [tilespmem:v12+s11+$0x0], $0xffff;
	[tilespmem:s21+$0xB0] =	vst v21  }
0x2b7: {  	v16 =	vld.idx.msk [tilespmem:v16+s11+$0x0], $0xffff;
	[tilespmem:s21+$0xC0] =	vst v22  }
0x2b8: {  	v13 =	vld.idx.msk [tilespmem:v13+s11+$0x0], $0xffff;
	[tilespmem:s21+$0xD0] =	vst v18  }
0x2b9: {  	v11 =	vld.idx.msk [tilespmem:v11+s11+$0x0], $0xffff;
	[tilespmem:s21+$0xE0] =	vst v23  }
0x2ba: {  	v14 =	vld.idx.msk [tilespmem:v14+s11+$0x0], $0xffff;
	[tilespmem:s21+$0x1F0] =	vst v2  }
0x2bb: {  	[tilespmem:s21+$0x100] =	vst v15;
	v10 =	vld.idx.msk [tilespmem:v10+s11+$0x0], $0xffff  }
.Ltmp5:
0x2bc: {  	v5 =	vld.idx.msk [tilespmem:v5+s11+$0x0], $0xffff;
	[tilespmem:s21+$0x110] =	vst v12;
	(pc) =	sbr.rel @p0 .LBB2_13-.Ltmp5, $4  }
0x2bd: {  	v9 =	vld.idx.msk [tilespmem:v9+s11+$0x0], $0xffff;
	[tilespmem:s21+$0x120] =	vst v16  }
0x2be: {  	v7 =	vld.idx.msk [tilespmem:v7+s11+$0x0], $0xffff;
	[tilespmem:s21+$0x130] =	vst v13  }
0x2bf: {  	v6 =	vld.idx.msk [tilespmem:v6+s11+$0x0], $0xffff;
	[tilespmem:s21+$0x140] =	vst v11  }
0x2c0: {  	s23 =	sadd.s32 $0x80, s23;
	v8 =	vld.idx.msk [tilespmem:v8+s11+$0x0], $0xffff;
	[tilespmem:s21+$0x150] =	vst v14  }
0x2c1: {  	_ =	sdelay $0x2  }
0x2c2: {  	[tilespmem:s21+$0x160] =	vst v10  }
0x2c3: {  	[tilespmem:s21+$0x180] =	vst v5;
	v1 =	vld.idx.msk [tilespmem:v4+s11+$0x0], $0xffff  }
0x2c4: {  	s18 =	sadd.s32 $0x1, s18;
	[tilespmem:s21+$0x190] =	vst v9;
	v2 =	vld.idx.msk [tilespmem:v3+s11+$0x0], $0xffff  }
0x2c5: {  	p0 =	sne.s32 s18, $0x19;
	[tilespmem:s21+$0x1A0] =	vst v7  }
.Ltmp6:
0x2c6: {  	[tilespmem:s21+$0x1B0] =	vst v6;
	(pc) =	sbr.rel @p0 .LBB2_2-.Ltmp6, $4  }
0x2c7: {  	[tilespmem:s21+$0x1C0] =	vst v8  }
0x2c8: {  	[tilespmem:s21+$0x1D0] =	vst v1  }
0x2c9: {  	s20 =	sadd.s32 s20, s9;
	[tilespmem:s21+$0x1E0] =	vst v2  }
0x2ca: {  	[hbm4b:s20+s2] =	stream.linear.scatter [tilespmem:s14], [sflag:$0x2], $0x8000, $0x38;
	[tilespmem:$0x18100] =	vst v63  }
0x2cb: {  	s17 =	sadd.s32 $0x1, s17  }
0x2cc: {  	_ =	swait.ge [sflag:s15], $0x8000;
	p0 =	sne.s32 s17, s10  }
.Ltmp7:
0x2cd: {  	[sflag:s15] =	ssyncset.done $0x0;
	(pc) =	sbr.rel @p0 .LBB2_1-.Ltmp7, $4  }
0x2ce: {  	[sflag:s15] =	ssyncadd.s32 $0xFFFF8000  }
0x2cf: {  	_ =	swait.ge [sflag:s16], $0x8000  }
0x2d0: {  	[sflag:s16] =	ssyncset.done $0x0  }
0x2d1: {  	[sflag:s16] =	ssyncadd.s32 $0xFFFF8000  }
0x2d2: {  	_ =	sfence.sel $0x180000  }
0x2d3: {  	[bflag:$0x0] =	sbarrier.arrive $0xFFFF  }
0x2d4: {  	p0 =	sne.s32 s3, $0x0;
	_ =	strace $0x90000047  }
0x2d5: {  	s0 =	sadd.s32 @!p0 $0x100000, s0;
	[bflag:$0x2] =	sbarrier.arrive $0xFFFF  }
0x2d6: {  	[sflag:s0] =	ssyncadd.tile.s32 @!p0 $0x1;
	_ =	shalt  }
.Lfunc_end2:
_tile_overlayer_lowered:
.L_overlay_start_2:
0x2d7: {  	(tag) =	ssettag $0x2  }
0x2d8: {  	s0 =	rddreg [dreg:$0x0];
	s2 =	stileid.u32  }
0x2d9: {  	s1 =	rddreg [dreg:$0x1];
	p0 =	sne.s32 s2, $0x0  }
0x2da: {  	s3 =	rddreg [dreg:$0x2];
	[bflag:$0x3] =	sbarrier.arrive $0xFFFF;
	s2 =	simm.s32 @!p0 $0x1C03  }
0x2db: {  	[timem:s3], [sflag:s2] =	dma.local @!p0 [hbm:s0], s1  }
0x2dc: {  	s0 =	simm.s32 @!p0 $0x3  }
0x2dd: {  	_ =	swait.ge @!p0 [sflag:s0], s1  }
0x2de: {  	s1 =	ssub.s32 @!p0 $0x0, s1;
	[sflag:s0] =	ssyncset.done @!p0 $0x0  }
0x2df: {  	[sflag:s0] =	ssyncadd.s32 @!p0 s1  }
0x2e0: {  	[bflag:$0x3] =	sbarrier.arrive $0xFFFF  }
0x2e1: {  	_ =	shalt  }

</sc_bundles>
